<compile_context>
chip_gen: v7x
topology: tpu7x:2x2x1
jax: 0.10.2.dev20260603
libtpu: 0.0.44.dev20260713+nightly
codegen_flags: <defaults>
</compile_context>

<pallas_src>
import functools

import jax
import jax.numpy as jnp
from jax import lax
from jax.experimental import pallas as pl
from jax.experimental.pallas import tpu as pltpu
from jax.experimental.pallas import tpu_sc as plsc

N = 10000
NPAD = 10240
D = 128
H = 128
C = 40
G = 64
E_TOT = 320000 + N
CHUNK = 128
NWORK = 32
NBUF = 6
NCH = 84
E_PAD = NCH * CHUNK * NWORK
ROWS = NPAD // 16

_mesh = plsc.VectorSubcoreMesh(core_axis_name="c", subcore_axis_name="s")


@functools.partial(
    pl.kernel,
    out_type=jax.ShapeDtypeStruct((2, NPAD, H), jnp.float32),
    mesh=_mesh,
    scratch_types=[
        pltpu.VMEM((NCH, CHUNK), jnp.int32),
        pltpu.VMEM((CHUNK, H), jnp.float32),
        pltpu.VMEM_SHARED((NPAD, H), jnp.float32),
        pltpu.SemaphoreType.DMA,
    ],
)
def _sc_degree(dst_hbm, ones_hbm, z16_hbm, out_hbm, dst_v, ones_v, acc, sem):
    c = lax.axis_index("c")
    s = lax.axis_index("s")
    w = c * 16 + s
    pltpu.sync_copy(z16_hbm, acc.at[pl.ds(s * ROWS, ROWS)])
    pltpu.sync_copy(ones_hbm, ones_v)
    pltpu.sync_copy(dst_hbm.at[w], dst_v)
    plsc.subcore_barrier()

    def body(g, carry):
        for b in range(NBUF):
            pltpu.async_copy(ones_v, acc.at[dst_v.at[g * NBUF + b]], sem,
                             add=True)
        for b in range(NBUF):
            pltpu.make_async_copy(ones_v, acc.at[dst_v.at[g * NBUF + b]],
                                  sem).wait()
        return carry

    lax.fori_loop(0, NCH // NBUF, body, 0)
    plsc.subcore_barrier()
    pltpu.sync_copy(acc.at[pl.ds(s * ROWS, ROWS)],
                    out_hbm.at[c, pl.ds(s * ROWS, ROWS)])


@functools.partial(
    pl.kernel,
    out_type=jax.ShapeDtypeStruct((2, NPAD, H), jnp.float32),
    mesh=_mesh,
    scratch_types=[
        pltpu.VMEM((NCH, CHUNK), jnp.int32),
        pltpu.VMEM((NCH, CHUNK), jnp.int32),
        pltpu.VMEM((CHUNK, H), jnp.float32),
        pltpu.VMEM_SHARED((NPAD, H), jnp.float32),
        pltpu.SemaphoreType.DMA,
    ],
)
def _sc_gather_scatter(y_hbm, src_hbm, dst_hbm, z_hbm, out_hbm,
                       src_v, dst_v, rows_v, acc, sem):
    c = lax.axis_index("c")
    s = lax.axis_index("s")
    w = c * 16 + s
    pltpu.sync_copy(z_hbm, acc.at[pl.ds(s * ROWS, ROWS)])
    pltpu.sync_copy(src_hbm.at[w], src_v)
    pltpu.sync_copy(dst_hbm.at[w], dst_v)
    plsc.subcore_barrier()

    pltpu.async_copy(y_hbm.at[src_v.at[0]], rows_v, sem)

    def body(g, carry):
        pltpu.make_async_copy(y_hbm.at[src_v.at[g]], rows_v, sem).wait()
        pltpu.sync_copy(rows_v, acc.at[dst_v.at[g]], add=True)
        pltpu.async_copy(y_hbm.at[src_v.at[g + 1]], rows_v, sem)
        return carry

    lax.fori_loop(0, NCH - 1, body, 0)
    pltpu.make_async_copy(y_hbm.at[src_v.at[NCH - 1]], rows_v, sem).wait()
    pltpu.sync_copy(rows_v, acc.at[dst_v.at[NCH - 1]], add=True)
    plsc.subcore_barrier()
    pltpu.sync_copy(acc.at[pl.ds(s * ROWS, ROWS)],
                    out_hbm.at[c, pl.ds(s * ROWS, ROWS)])


def _valid_mask():
    return lax.broadcasted_iota(jnp.int32, (NPAD, 1), 0) < N


def _tc_prep(x_ref, w1_ref, deg_ref, y_ref, dinv_ref):
    deg16 = deg_ref[0] + deg_ref[1]
    deg = deg16[:, 0:1]
    dinv = jnp.where(deg > 0.0, lax.rsqrt(deg), 0.0)
    xw = jnp.dot(x_ref[...], w1_ref[...], preferred_element_type=jnp.float32)
    y_ref[...] = xw * dinv
    dinv_ref[...] = dinv


def _bn_relu(p0, p1, dinv, b, g, be):
    z = (p0 + p1) * dinv + b
    mask = _valid_mask()
    zm = jnp.where(mask, z, 0.0)
    m = jnp.sum(zm, axis=0, keepdims=True) * (1.0 / N)
    dz = jnp.where(mask, z - m, 0.0)
    v = jnp.sum(dz * dz, axis=0, keepdims=True) * (1.0 / N)
    return jnp.maximum(g * (z - m) * lax.rsqrt(v + 1e-5) + be, 0.0)


def _tc_mid(p_ref, dinv_ref, b_ref, g_ref, be_ref, wn_ref, y_ref):
    dinv = dinv_ref[...]
    h = _bn_relu(p_ref[0], p_ref[1], dinv, b_ref[...], g_ref[...], be_ref[...])
    y_ref[...] = jnp.dot(h, wn_ref[...], preferred_element_type=jnp.float32) * dinv


def _tc_final(p_ref, dinv_ref, b_ref, g_ref, be_ref, batch_ref, wl_ref,
              bl_ref, out_ref):
    h = _bn_relu(p_ref[0], p_ref[1], dinv_ref[...], b_ref[...], g_ref[...],
                 be_ref[...])
    h = jnp.where(_valid_mask(), h, 0.0)
    gids = lax.broadcasted_iota(jnp.int32, (NPAD, G), 1)
    oh = (batch_ref[...].reshape(NPAD, 1) == gids).astype(jnp.float32)
    seg = lax.dot_general(oh, h, (((0,), (0,)), ((), ())),
                          preferred_element_type=jnp.float32)
    cnt = jnp.sum(oh, axis=0, keepdims=True)
    pooled = seg / jnp.clip(cnt, 1.0, None).reshape(G, 1)
    out_ref[...] = (jnp.dot(pooled, wl_ref[...],
                            preferred_element_type=jnp.float32) + bl_ref[...])


def kernel(x, edge_index, batch, W1, b1, g1, be1, Wc, bc, gc, bec, Wl, bl):
    loop = jnp.arange(N, dtype=jnp.int32)
    npad_e = E_PAD - E_TOT
    pad_spread = jnp.arange(npad_e, dtype=jnp.int32) % (NPAD - N)
    src = jnp.concatenate([edge_index[0].astype(jnp.int32), loop,
                           pad_spread]).reshape(NWORK, NCH, CHUNK)
    dst = jnp.concatenate([edge_index[1].astype(jnp.int32), loop,
                           N + pad_spread]).reshape(NWORK, NCH, CHUNK)
    x_pad = jnp.zeros((NPAD, D), jnp.float32).at[:N].set(x)
    batch_pad = jnp.concatenate([batch.astype(jnp.int32),
                                 jnp.full((NPAD - N,), G, jnp.int32)])
    z_rows = jnp.zeros((ROWS, H), jnp.float32)
    ones_rows = jnp.ones((CHUNK, H), jnp.float32)

    deg16 = _sc_degree(dst, ones_rows, z_rows)

    y, dinv = pl.pallas_call(
        _tc_prep,
        out_shape=(jax.ShapeDtypeStruct((NPAD, H), jnp.float32),
                   jax.ShapeDtypeStruct((NPAD, 1), jnp.float32)),
    )(x_pad, W1, deg16)

    biases = [b1, bc[0], bc[1]]
    gammas = [g1, gc[0], gc[1]]
    betas = [be1, bec[0], bec[1]]

    for layer in range(3):
        p = _sc_gather_scatter(y, src, dst, z_rows)
        b_ = biases[layer].reshape(1, H)
        g_ = gammas[layer].reshape(1, H)
        be_ = betas[layer].reshape(1, H)
        if layer < 2:
            y = pl.pallas_call(
                _tc_mid,
                out_shape=jax.ShapeDtypeStruct((NPAD, H), jnp.float32),
            )(p, dinv, b_, g_, be_, Wc[layer])
        else:
            out = pl.pallas_call(
                _tc_final,
                out_shape=jax.ShapeDtypeStruct((G, C), jnp.float32),
            )(p, dinv, b_, g_, be_, batch_pad, Wl, bl.reshape(1, C))
    return out

# --- scband reference (transcript-rebuilt; emitter-appended) ---
"""Pipeline reference for scband-gcn-39573828665766 (READ-ONLY COPY).

The authoritative reference and input builder live on the scoring server;
editing this copy changes nothing except your own understanding.
"""

import jax, jax.numpy as jnp
import numpy as np

N = 10000
E = 320000
D = 128
H = 128
C = 40
G = 64
L = 2


def setup_inputs(seed: int = 0) -> dict:
    key = jax.random.key(seed)
    ks = jax.random.split(key, 12)
    inp = {}
    inp["x"] = jax.random.normal(ks[0], (N, D), dtype=jnp.float32)
    inp["edge_index"] = jax.random.randint(ks[1], (2, E), 0, N)
    inp["batch"] = jnp.sort(jax.random.randint(ks[2], (N,), 0, G))
    s1 = 1.0 / np.sqrt(D)
    sh = 1.0 / np.sqrt(H)
    inp["W1"] = jax.random.uniform(ks[3], (D, H), minval=-s1, maxval=s1, dtype=jnp.float32)
    inp["b1"] = jnp.zeros((H,), jnp.float32)
    inp["g1"] = jnp.ones((H,), jnp.float32)
    inp["be1"] = jnp.zeros((H,), jnp.float32)
    inp["Wc"] = jax.random.uniform(ks[4], (L, H, H), minval=-sh, maxval=sh, dtype=jnp.float32)
    inp["bc"] = jnp.zeros((L, H), jnp.float32)
    inp["gc"] = jnp.ones((L, H), jnp.float32)
    inp["bec"] = jnp.zeros((L, H), jnp.float32)
    inp["Wl"] = jax.random.uniform(ks[5], (H, C), minval=-sh, maxval=sh, dtype=jnp.float32)
    inp["bl"] = jnp.zeros((C,), jnp.float32)
    return inp


def _gcn_conv(x, src, dst, W, b):
    # PyG GCNConv: linear first, add self-loops, symmetric normalization, scatter-add to dst
    xw = x @ W
    deg = jnp.zeros((N,), jnp.float32).at[dst].add(1.0)
    dinv = jnp.where(deg > 0, jax.lax.rsqrt(deg), 0.0)
    norm = dinv[src] * dinv[dst]
    msg = xw[src] * norm[:, None]
    out = jnp.zeros((N, W.shape[1]), jnp.float32).at[dst].add(msg)
    return out + b


def _bn(x, g, b):
    # BatchNorm1d in training mode: biased batch statistics
    m = jnp.mean(x, axis=0)
    v = jnp.mean((x - m) ** 2, axis=0)
    return g * (x - m) * jax.lax.rsqrt(v + 1e-5) + b


def reference(x, edge_index, batch, W1, b1, g1, be1, Wc, bc, gc, bec, Wl, bl):
    loop = jnp.arange(N, dtype=edge_index.dtype)
    src = jnp.concatenate([edge_index[0], loop])
    dst = jnp.concatenate([edge_index[1], loop])
    h = jax.nn.relu(_bn(_gcn_conv(x, src, dst, W1, b1), g1, be1))
    for i in range(L):
        h = jax.nn.relu(_bn(_gcn_conv(h, src, dst, Wc[i], bc[i]), gc[i], bec[i]))
    ssum = jax.ops.segment_sum(h, batch, num_segments=G)
    cnt = jax.ops.segment_sum(jnp.ones((N, 1), jnp.float32), batch, num_segments=G)
    pooled = ssum / jnp.clip(cnt, 1.0, None)
    return pooled @ Wl + bl

if __name__ == "__main__":
    import jax
    _d = setup_inputs()
    print(jax.jit(kernel)(*tuple(_d.values())))

</pallas_src>

<mosaic_0001>
#map = affine_map<(d0, d1) -> (0, 0)>
#map1 = affine_map<(d0, d1) -> (0, 0, 0)>
module attributes {stable_mosaic.version = 14 : i64} {
  func.func @_sc_gather_scatter(%arg0: i32, %arg1: i32, %arg2: memref<10240x128xf32, #tpu.memory_space<hbm>>, %arg3: memref<32x84x128xi32, #tpu.memory_space<hbm>>, %arg4: memref<32x84x128xi32, #tpu.memory_space<hbm>>, %arg5: memref<640x128xf32, #tpu.memory_space<hbm>>, %arg6: memref<2x10240x128xf32, #tpu.memory_space<hbm>>, %arg7: memref<84x128xi32, #tpu.memory_space<vmem>>, %arg8: memref<84x128xi32, #tpu.memory_space<vmem>>, %arg9: memref<128x128xf32, #tpu.memory_space<vmem>>, %arg10: memref<10240x128xf32, #tpu.memory_space<vmem_shared>>, %arg11: memref<!tpu.dma_semaphore, #tpu.memory_space<semaphore_mem>>) attributes {dimension_semantics = [#tpu.dimension_semantics<core_parallel>, #tpu.dimension_semantics<subcore_parallel>], iteration_bounds = array<i64: 2, 16>, scalar_prefetch = 0 : i64, scratch_operands = 5 : i64, tpu.core_type = #tpu.core_type<sc_vector_subcore>, window_params = [{transform_indices = #map}, {transform_indices = #map1}, {transform_indices = #map1}, {transform_indices = #map}, {transform_indices = #map1}]} {
    %mul3A = arith.constant 16 : i32
    %mul3A_0 = arith.muli %arg0, %mul3A : i32
    %add3A = arith.addi %mul3A_0, %arg1 : i32
    %mul3A_1 = arith.constant 640 : i32
    %mul3A_2 = arith.muli %arg1, %mul3A_1 : i32
    "tpu.region"() ({
      %run_scoped3A_25 = tpu.sem_alloc : memref<!tpu.dma_semaphore, #tpu.memory_space<semaphore_mem>>
      %dma_start3A_26 = arith.constant 0 : i32
      %dma_start3A_27 = tpu.memref_slice %arg10[%mul3A_2, %dma_start3A_26] : memref<10240x128xf32, #tpu.memory_space<vmem_shared>> -> memref<640x128xf32, #tpu.memory_space<vmem_shared>>
      tpu.enqueue_dma source(%arg5 : memref<640x128xf32, #tpu.memory_space<hbm>>) target(%dma_start3A_27 : memref<640x128xf32, #tpu.memory_space<vmem_shared>>) target_semaphore(%run_scoped3A_25 : memref<!tpu.dma_semaphore, #tpu.memory_space<semaphore_mem>>)
      %dma_wait3A_28 = arith.constant 0 : i32
      %dma_wait3A_29 = tpu.memref_slice %arg10[%mul3A_2, %dma_wait3A_28] : memref<10240x128xf32, #tpu.memory_space<vmem_shared>> -> memref<640x128xf32, #tpu.memory_space<vmem_shared>>
      tpu.wait_dma2 semaphore(%run_scoped3A_25 : memref<!tpu.dma_semaphore, #tpu.memory_space<semaphore_mem>>) src(%arg5 : memref<640x128xf32, #tpu.memory_space<hbm>>) dst(%dma_wait3A_29 : memref<640x128xf32, #tpu.memory_space<vmem_shared>>)
      tpu.yield
    }) : () -> ()
    "tpu.region"() ({
      %run_scoped3A_25 = tpu.sem_alloc : memref<!tpu.dma_semaphore, #tpu.memory_space<semaphore_mem>>
      %dma_start3A_26 = arith.constant 0 : i32
      %dma_start3A_27 = arith.constant 0 : i32
      %dma_start3A_28 = tpu.memref_slice %arg3[%add3A, %dma_start3A_26, %dma_start3A_27] : memref<32x84x128xi32, #tpu.memory_space<hbm>> -> memref<1x84x128xi32, #tpu.memory_space<hbm>>
      %dma_start3A_29 = tpu.memref_squeeze %dma_start3A_28 : memref<1x84x128xi32, #tpu.memory_space<hbm>> -> memref<84x128xi32, #tpu.memory_space<hbm>>
      %dma_start3A_30 = arith.constant 0 : i32
      %dma_start3A_31 = arith.constant 0 : i32
      %dma_start3A_32 = tpu.memref_slice %arg3[%add3A, %dma_start3A_30, %dma_start3A_31] : memref<32x84x128xi32, #tpu.memory_space<hbm>> -> memref<1x84x128xi32, #tpu.memory_space<hbm>>
      %dma_start3A_33 = tpu.memref_squeeze %dma_start3A_32 : memref<1x84x128xi32, #tpu.memory_space<hbm>> -> memref<84x128xi32, #tpu.memory_space<hbm>>
      tpu.enqueue_dma source(%dma_start3A_33 : memref<84x128xi32, #tpu.memory_space<hbm>>) target(%arg7 : memref<84x128xi32, #tpu.memory_space<vmem>>) target_semaphore(%run_scoped3A_25 : memref<!tpu.dma_semaphore, #tpu.memory_space<semaphore_mem>>)
      %dma_wait3A_34 = arith.constant 0 : i32
      %dma_wait3A_35 = arith.constant 0 : i32
      %dma_wait3A_36 = tpu.memref_slice %arg3[%add3A, %dma_wait3A_34, %dma_wait3A_35] : memref<32x84x128xi32, #tpu.memory_space<hbm>> -> memref<1x84x128xi32, #tpu.memory_space<hbm>>
      %dma_wait3A_37 = tpu.memref_squeeze %dma_wait3A_36 : memref<1x84x128xi32, #tpu.memory_space<hbm>> -> memref<84x128xi32, #tpu.memory_space<hbm>>
      %dma_wait3A_38 = arith.constant 0 : i32
      %dma_wait3A_39 = arith.constant 0 : i32
      %dma_wait3A_40 = tpu.memref_slice %arg3[%add3A, %dma_wait3A_38, %dma_wait3A_39] : memref<32x84x128xi32, #tpu.memory_space<hbm>> -> memref<1x84x128xi32, #tpu.memory_space<hbm>>
      %dma_wait3A_41 = tpu.memref_squeeze %dma_wait3A_40 : memref<1x84x128xi32, #tpu.memory_space<hbm>> -> memref<84x128xi32, #tpu.memory_space<hbm>>
      tpu.wait_dma2 semaphore(%run_scoped3A_25 : memref<!tpu.dma_semaphore, #tpu.memory_space<semaphore_mem>>) src(%dma_wait3A_41 : memref<84x128xi32, #tpu.memory_space<hbm>>) dst(%arg7 : memref<84x128xi32, #tpu.memory_space<vmem>>)
      tpu.yield
    }) : () -> ()
    "tpu.region"() ({
      %run_scoped3A_25 = tpu.sem_alloc : memref<!tpu.dma_semaphore, #tpu.memory_space<semaphore_mem>>
      %dma_start3A_26 = arith.constant 0 : i32
      %dma_start3A_27 = arith.constant 0 : i32
      %dma_start3A_28 = tpu.memref_slice %arg4[%add3A, %dma_start3A_26, %dma_start3A_27] : memref<32x84x128xi32, #tpu.memory_space<hbm>> -> memref<1x84x128xi32, #tpu.memory_space<hbm>>
      %dma_start3A_29 = tpu.memref_squeeze %dma_start3A_28 : memref<1x84x128xi32, #tpu.memory_space<hbm>> -> memref<84x128xi32, #tpu.memory_space<hbm>>
      %dma_start3A_30 = arith.constant 0 : i32
      %dma_start3A_31 = arith.constant 0 : i32
      %dma_start3A_32 = tpu.memref_slice %arg4[%add3A, %dma_start3A_30, %dma_start3A_31] : memref<32x84x128xi32, #tpu.memory_space<hbm>> -> memref<1x84x128xi32, #tpu.memory_space<hbm>>
      %dma_start3A_33 = tpu.memref_squeeze %dma_start3A_32 : memref<1x84x128xi32, #tpu.memory_space<hbm>> -> memref<84x128xi32, #tpu.memory_space<hbm>>
      tpu.enqueue_dma source(%dma_start3A_33 : memref<84x128xi32, #tpu.memory_space<hbm>>) target(%arg8 : memref<84x128xi32, #tpu.memory_space<vmem>>) target_semaphore(%run_scoped3A_25 : memref<!tpu.dma_semaphore, #tpu.memory_space<semaphore_mem>>)
      %dma_wait3A_34 = arith.constant 0 : i32
      %dma_wait3A_35 = arith.constant 0 : i32
      %dma_wait3A_36 = tpu.memref_slice %arg4[%add3A, %dma_wait3A_34, %dma_wait3A_35] : memref<32x84x128xi32, #tpu.memory_space<hbm>> -> memref<1x84x128xi32, #tpu.memory_space<hbm>>
      %dma_wait3A_37 = tpu.memref_squeeze %dma_wait3A_36 : memref<1x84x128xi32, #tpu.memory_space<hbm>> -> memref<84x128xi32, #tpu.memory_space<hbm>>
      %dma_wait3A_38 = arith.constant 0 : i32
      %dma_wait3A_39 = arith.constant 0 : i32
      %dma_wait3A_40 = tpu.memref_slice %arg4[%add3A, %dma_wait3A_38, %dma_wait3A_39] : memref<32x84x128xi32, #tpu.memory_space<hbm>> -> memref<1x84x128xi32, #tpu.memory_space<hbm>>
      %dma_wait3A_41 = tpu.memref_squeeze %dma_wait3A_40 : memref<1x84x128xi32, #tpu.memory_space<hbm>> -> memref<84x128xi32, #tpu.memory_space<hbm>>
      tpu.wait_dma2 semaphore(%run_scoped3A_25 : memref<!tpu.dma_semaphore, #tpu.memory_space<semaphore_mem>>) src(%dma_wait3A_41 : memref<84x128xi32, #tpu.memory_space<hbm>>) dst(%arg8 : memref<84x128xi32, #tpu.memory_space<vmem>>)
      tpu.yield
    }) : () -> ()
    %barrier3A = arith.constant 0 : index
    tpu.barrier barrier_id(%barrier3A)
    %dma_start3A = arith.constant 0 : i32
    %dma_start3A_3 = arith.constant 0 : i32
    %dma_start3A_4 = tpu.memref_slice %arg7[%dma_start3A, %dma_start3A_3] : memref<84x128xi32, #tpu.memory_space<vmem>> -> memref<1x128xi32, #tpu.memory_space<vmem>>
    %dma_start3A_5 = tpu.memref_squeeze %dma_start3A_4 : memref<1x128xi32, #tpu.memory_space<vmem>> -> memref<128xi32, #tpu.memory_space<vmem>>
    %dma_start3A_6 = arith.constant 0 : i32
    %dma_start3A_7 = arith.constant 0 : i32
    %dma_start3A_8 = tpu.memref_slice %arg2[%dma_start3A_6, %dma_start3A_7] : memref<10240x128xf32, #tpu.memory_space<hbm>> -> memref<10240x128xf32, #tpu.memory_space<hbm>>
    tpu.enqueue_indirect_dma source(%dma_start3A_8 : memref<10240x128xf32, #tpu.memory_space<hbm>>) target(%arg9 : memref<128x128xf32, #tpu.memory_space<vmem>>) offsets(%dma_start3A_5 : memref<128xi32, #tpu.memory_space<vmem>>) semaphore(%arg11 : memref<!tpu.dma_semaphore, #tpu.memory_space<semaphore_mem>>)
    %scan3A = arith.constant 0 : i32
    %scan3A_9 = arith.constant 0 : i32
    %scan3A_10 = arith.constant 83 : i32
    %scan3A_11 = arith.addi %scan3A_9, %scan3A_10 : i32
    %scan3A_12 = arith.constant 1 : i32
    scf.for %scan3A_25 = %scan3A_9 to %scan3A_11 step %scan3A_12  : i32 {
      %dma_wait3A_26 = arith.constant 0 : i32
      %dma_wait3A_27 = tpu.memref_slice %arg7[%scan3A_25, %dma_wait3A_26] : memref<84x128xi32, #tpu.memory_space<vmem>> -> memref<1x128xi32, #tpu.memory_space<vmem>>
      %dma_wait3A_28 = tpu.memref_squeeze %dma_wait3A_27 : memref<1x128xi32, #tpu.memory_space<vmem>> -> memref<128xi32, #tpu.memory_space<vmem>>
      %dma_wait3A_29 = arith.constant 0 : i32
      %dma_wait3A_30 = arith.constant 0 : i32
      %dma_wait3A_31 = tpu.memref_slice %arg2[%dma_wait3A_29, %dma_wait3A_30] : memref<10240x128xf32, #tpu.memory_space<hbm>> -> memref<10240x128xf32, #tpu.memory_space<hbm>>
      tpu.wait_indirect_dma semaphore(%arg11 : memref<!tpu.dma_semaphore, #tpu.memory_space<semaphore_mem>>) src(%dma_wait3A_31 : memref<10240x128xf32, #tpu.memory_space<hbm>>) dst(%arg9 : memref<128x128xf32, #tpu.memory_space<vmem>>)
      "tpu.region"() ({
        %run_scoped3A_40 = tpu.sem_alloc : memref<!tpu.dma_semaphore, #tpu.memory_space<semaphore_mem>>
        %dma_start3A_41 = arith.constant 0 : i32
        %dma_start3A_42 = tpu.memref_slice %arg8[%scan3A_25, %dma_start3A_41] : memref<84x128xi32, #tpu.memory_space<vmem>> -> memref<1x128xi32, #tpu.memory_space<vmem>>
        %dma_start3A_43 = tpu.memref_squeeze %dma_start3A_42 : memref<1x128xi32, #tpu.memory_space<vmem>> -> memref<128xi32, #tpu.memory_space<vmem>>
        %dma_start3A_44 = arith.constant 0 : i32
        %dma_start3A_45 = arith.constant 0 : i32
        %dma_start3A_46 = tpu.memref_slice %arg10[%dma_start3A_44, %dma_start3A_45] : memref<10240x128xf32, #tpu.memory_space<vmem_shared>> -> memref<10240x128xf32, #tpu.memory_space<vmem_shared>>
        tpu.enqueue_indirect_dma source(%arg9 : memref<128x128xf32, #tpu.memory_space<vmem>>) target(%dma_start3A_46 : memref<10240x128xf32, #tpu.memory_space<vmem_shared>>) offsets(%dma_start3A_43 : memref<128xi32, #tpu.memory_space<vmem>>) semaphore(%run_scoped3A_40 : memref<!tpu.dma_semaphore, #tpu.memory_space<semaphore_mem>>) {add = true}
        %dma_wait3A_47 = arith.constant 0 : i32
        %dma_wait3A_48 = tpu.memref_slice %arg8[%scan3A_25, %dma_wait3A_47] : memref<84x128xi32, #tpu.memory_space<vmem>> -> memref<1x128xi32, #tpu.memory_space<vmem>>
        %dma_wait3A_49 = tpu.memref_squeeze %dma_wait3A_48 : memref<1x128xi32, #tpu.memory_space<vmem>> -> memref<128xi32, #tpu.memory_space<vmem>>
        %dma_wait3A_50 = arith.constant 0 : i32
        %dma_wait3A_51 = arith.constant 0 : i32
        %dma_wait3A_52 = tpu.memref_slice %arg10[%dma_wait3A_50, %dma_wait3A_51] : memref<10240x128xf32, #tpu.memory_space<vmem_shared>> -> memref<10240x128xf32, #tpu.memory_space<vmem_shared>>
        tpu.wait_indirect_dma semaphore(%run_scoped3A_40 : memref<!tpu.dma_semaphore, #tpu.memory_space<semaphore_mem>>) src(%arg9 : memref<128x128xf32, #tpu.memory_space<vmem>>) dst(%dma_wait3A_52 : memref<10240x128xf32, #tpu.memory_space<vmem_shared>>)
        tpu.yield
      }) : () -> ()
      %add3A_32 = arith.constant 1 : i32
      %add3A_33 = arith.addi %scan3A_25, %add3A_32 : i32
      %dma_start3A_34 = arith.constant 0 : i32
      %dma_start3A_35 = tpu.memref_slice %arg7[%add3A_33, %dma_start3A_34] : memref<84x128xi32, #tpu.memory_space<vmem>> -> memref<1x128xi32, #tpu.memory_space<vmem>>
      %dma_start3A_36 = tpu.memref_squeeze %dma_start3A_35 : memref<1x128xi32, #tpu.memory_space<vmem>> -> memref<128xi32, #tpu.memory_space<vmem>>
      %dma_start3A_37 = arith.constant 0 : i32
      %dma_start3A_38 = arith.constant 0 : i32
      %dma_start3A_39 = tpu.memref_slice %arg2[%dma_start3A_37, %dma_start3A_38] : memref<10240x128xf32, #tpu.memory_space<hbm>> -> memref<10240x128xf32, #tpu.memory_space<hbm>>
      tpu.enqueue_indirect_dma source(%dma_start3A_39 : memref<10240x128xf32, #tpu.memory_space<hbm>>) target(%arg9 : memref<128x128xf32, #tpu.memory_space<vmem>>) offsets(%dma_start3A_36 : memref<128xi32, #tpu.memory_space<vmem>>) semaphore(%arg11 : memref<!tpu.dma_semaphore, #tpu.memory_space<semaphore_mem>>)
    }
    %scan3A_13 = arith.constant 83 : i32
    %dma_wait3A = arith.constant 83 : i32
    %dma_wait3A_14 = arith.constant 0 : i32
    %dma_wait3A_15 = tpu.memref_slice %arg7[%dma_wait3A, %dma_wait3A_14] : memref<84x128xi32, #tpu.memory_space<vmem>> -> memref<1x128xi32, #tpu.memory_space<vmem>>
    %dma_wait3A_16 = tpu.memref_squeeze %dma_wait3A_15 : memref<1x128xi32, #tpu.memory_space<vmem>> -> memref<128xi32, #tpu.memory_space<vmem>>
    %dma_wait3A_17 = arith.constant 0 : i32
    %dma_wait3A_18 = arith.constant 0 : i32
    %dma_wait3A_19 = tpu.memref_slice %arg2[%dma_wait3A_17, %dma_wait3A_18] : memref<10240x128xf32, #tpu.memory_space<hbm>> -> memref<10240x128xf32, #tpu.memory_space<hbm>>
    tpu.wait_indirect_dma semaphore(%arg11 : memref<!tpu.dma_semaphore, #tpu.memory_space<semaphore_mem>>) src(%dma_wait3A_19 : memref<10240x128xf32, #tpu.memory_space<hbm>>) dst(%arg9 : memref<128x128xf32, #tpu.memory_space<vmem>>)
    %run_scoped3A = arith.constant 83 : i32
    "tpu.region"() ({
      %run_scoped3A_25 = tpu.sem_alloc : memref<!tpu.dma_semaphore, #tpu.memory_space<semaphore_mem>>
      %dma_start3A_26 = arith.constant 0 : i32
      %dma_start3A_27 = tpu.memref_slice %arg8[%run_scoped3A, %dma_start3A_26] : memref<84x128xi32, #tpu.memory_space<vmem>> -> memref<1x128xi32, #tpu.memory_space<vmem>>
      %dma_start3A_28 = tpu.memref_squeeze %dma_start3A_27 : memref<1x128xi32, #tpu.memory_space<vmem>> -> memref<128xi32, #tpu.memory_space<vmem>>
      %dma_start3A_29 = arith.constant 0 : i32
      %dma_start3A_30 = arith.constant 0 : i32
      %dma_start3A_31 = tpu.memref_slice %arg10[%dma_start3A_29, %dma_start3A_30] : memref<10240x128xf32, #tpu.memory_space<vmem_shared>> -> memref<10240x128xf32, #tpu.memory_space<vmem_shared>>
      tpu.enqueue_indirect_dma source(%arg9 : memref<128x128xf32, #tpu.memory_space<vmem>>) target(%dma_start3A_31 : memref<10240x128xf32, #tpu.memory_space<vmem_shared>>) offsets(%dma_start3A_28 : memref<128xi32, #tpu.memory_space<vmem>>) semaphore(%run_scoped3A_25 : memref<!tpu.dma_semaphore, #tpu.memory_space<semaphore_mem>>) {add = true}
      %dma_wait3A_32 = arith.constant 0 : i32
      %dma_wait3A_33 = tpu.memref_slice %arg8[%run_scoped3A, %dma_wait3A_32] : memref<84x128xi32, #tpu.memory_space<vmem>> -> memref<1x128xi32, #tpu.memory_space<vmem>>
      %dma_wait3A_34 = tpu.memref_squeeze %dma_wait3A_33 : memref<1x128xi32, #tpu.memory_space<vmem>> -> memref<128xi32, #tpu.memory_space<vmem>>
      %dma_wait3A_35 = arith.constant 0 : i32
      %dma_wait3A_36 = arith.constant 0 : i32
      %dma_wait3A_37 = tpu.memref_slice %arg10[%dma_wait3A_35, %dma_wait3A_36] : memref<10240x128xf32, #tpu.memory_space<vmem_shared>> -> memref<10240x128xf32, #tpu.memory_space<vmem_shared>>
      tpu.wait_indirect_dma semaphore(%run_scoped3A_25 : memref<!tpu.dma_semaphore, #tpu.memory_space<semaphore_mem>>) src(%arg9 : memref<128x128xf32, #tpu.memory_space<vmem>>) dst(%dma_wait3A_37 : memref<10240x128xf32, #tpu.memory_space<vmem_shared>>)
      tpu.yield
    }) : () -> ()
    %barrier3A_20 = arith.constant 0 : index
    tpu.barrier barrier_id(%barrier3A_20)
    %mul3A_21 = arith.constant 640 : i32
    %mul3A_22 = arith.muli %arg1, %mul3A_21 : i32
    %mul3A_23 = arith.constant 640 : i32
    %mul3A_24 = arith.muli %arg1, %mul3A_23 : i32
    "tpu.region"() ({
      %run_scoped3A_25 = tpu.sem_alloc : memref<!tpu.dma_semaphore, #tpu.memory_space<semaphore_mem>>
      %dma_start3A_26 = arith.constant 0 : i32
      %dma_start3A_27 = tpu.memref_slice %arg6[%arg0, %mul3A_24, %dma_start3A_26] : memref<2x10240x128xf32, #tpu.memory_space<hbm>> -> memref<1x640x128xf32, #tpu.memory_space<hbm>>
      %dma_start3A_28 = tpu.memref_squeeze %dma_start3A_27 : memref<1x640x128xf32, #tpu.memory_space<hbm>> -> memref<640x128xf32, #tpu.memory_space<hbm>>
      %dma_start3A_29 = arith.constant 0 : i32
      %dma_start3A_30 = tpu.memref_slice %arg10[%mul3A_22, %dma_start3A_29] : memref<10240x128xf32, #tpu.memory_space<vmem_shared>> -> memref<640x128xf32, #tpu.memory_space<vmem_shared>>
      tpu.enqueue_dma source(%dma_start3A_30 : memref<640x128xf32, #tpu.memory_space<vmem_shared>>) target(%dma_start3A_28 : memref<640x128xf32, #tpu.memory_space<hbm>>) target_semaphore(%run_scoped3A_25 : memref<!tpu.dma_semaphore, #tpu.memory_space<semaphore_mem>>)
      %dma_wait3A_31 = arith.constant 0 : i32
      %dma_wait3A_32 = tpu.memref_slice %arg6[%arg0, %mul3A_24, %dma_wait3A_31] : memref<2x10240x128xf32, #tpu.memory_space<hbm>> -> memref<1x640x128xf32, #tpu.memory_space<hbm>>
      %dma_wait3A_33 = tpu.memref_squeeze %dma_wait3A_32 : memref<1x640x128xf32, #tpu.memory_space<hbm>> -> memref<640x128xf32, #tpu.memory_space<hbm>>
      %dma_wait3A_34 = arith.constant 0 : i32
      %dma_wait3A_35 = tpu.memref_slice %arg10[%mul3A_22, %dma_wait3A_34] : memref<10240x128xf32, #tpu.memory_space<vmem_shared>> -> memref<640x128xf32, #tpu.memory_space<vmem_shared>>
      tpu.wait_dma2 semaphore(%run_scoped3A_25 : memref<!tpu.dma_semaphore, #tpu.memory_space<semaphore_mem>>) src(%dma_wait3A_35 : memref<640x128xf32, #tpu.memory_space<vmem_shared>>) dst(%dma_wait3A_33 : memref<640x128xf32, #tpu.memory_space<hbm>>)
      tpu.yield
    }) : () -> ()
    return
  }
}

#map = affine_map<(d0, d1) -> (0, 0, 0)>
#map1 = affine_map<(d0, d1) -> (0, 0)>
module attributes {stable_mosaic.version = 14 : i64} {
  func.func @_sc_degree(%arg0: i32, %arg1: i32, %arg2: memref<32x84x128xi32, #tpu.memory_space<hbm>>, %arg3: memref<128x128xf32, #tpu.memory_space<hbm>>, %arg4: memref<640x128xf32, #tpu.memory_space<hbm>>, %arg5: memref<2x10240x128xf32, #tpu.memory_space<hbm>>, %arg6: memref<84x128xi32, #tpu.memory_space<vmem>>, %arg7: memref<128x128xf32, #tpu.memory_space<vmem>>, %arg8: memref<10240x128xf32, #tpu.memory_space<vmem_shared>>, %arg9: memref<!tpu.dma_semaphore, #tpu.memory_space<semaphore_mem>>) attributes {dimension_semantics = [#tpu.dimension_semantics<core_parallel>, #tpu.dimension_semantics<subcore_parallel>], iteration_bounds = array<i64: 2, 16>, scalar_prefetch = 0 : i64, scratch_operands = 4 : i64, tpu.core_type = #tpu.core_type<sc_vector_subcore>, window_params = [{transform_indices = #map}, {transform_indices = #map1}, {transform_indices = #map1}, {transform_indices = #map}]} {
    %mul3A = arith.constant 16 : i32
    %mul3A_0 = arith.muli %arg0, %mul3A : i32
    %add3A = arith.addi %mul3A_0, %arg1 : i32
    %mul3A_1 = arith.constant 640 : i32
    %mul3A_2 = arith.muli %arg1, %mul3A_1 : i32
    "tpu.region"() ({
      %run_scoped3A = tpu.sem_alloc : memref<!tpu.dma_semaphore, #tpu.memory_space<semaphore_mem>>
      %dma_start3A = arith.constant 0 : i32
      %dma_start3A_13 = tpu.memref_slice %arg8[%mul3A_2, %dma_start3A] : memref<10240x128xf32, #tpu.memory_space<vmem_shared>> -> memref<640x128xf32, #tpu.memory_space<vmem_shared>>
      tpu.enqueue_dma source(%arg4 : memref<640x128xf32, #tpu.memory_space<hbm>>) target(%dma_start3A_13 : memref<640x128xf32, #tpu.memory_space<vmem_shared>>) target_semaphore(%run_scoped3A : memref<!tpu.dma_semaphore, #tpu.memory_space<semaphore_mem>>)
      %dma_wait3A = arith.constant 0 : i32
      %dma_wait3A_14 = tpu.memref_slice %arg8[%mul3A_2, %dma_wait3A] : memref<10240x128xf32, #tpu.memory_space<vmem_shared>> -> memref<640x128xf32, #tpu.memory_space<vmem_shared>>
      tpu.wait_dma2 semaphore(%run_scoped3A : memref<!tpu.dma_semaphore, #tpu.memory_space<semaphore_mem>>) src(%arg4 : memref<640x128xf32, #tpu.memory_space<hbm>>) dst(%dma_wait3A_14 : memref<640x128xf32, #tpu.memory_space<vmem_shared>>)
      tpu.yield
    }) : () -> ()
    "tpu.region"() ({
      %run_scoped3A = tpu.sem_alloc : memref<!tpu.dma_semaphore, #tpu.memory_space<semaphore_mem>>
      tpu.enqueue_dma source(%arg3 : memref<128x128xf32, #tpu.memory_space<hbm>>) target(%arg7 : memref<128x128xf32, #tpu.memory_space<vmem>>) target_semaphore(%run_scoped3A : memref<!tpu.dma_semaphore, #tpu.memory_space<semaphore_mem>>)
      tpu.wait_dma2 semaphore(%run_scoped3A : memref<!tpu.dma_semaphore, #tpu.memory_space<semaphore_mem>>) src(%arg3 : memref<128x128xf32, #tpu.memory_space<hbm>>) dst(%arg7 : memref<128x128xf32, #tpu.memory_space<vmem>>)
      tpu.yield
    }) : () -> ()
    "tpu.region"() ({
      %run_scoped3A = tpu.sem_alloc : memref<!tpu.dma_semaphore, #tpu.memory_space<semaphore_mem>>
      %dma_start3A = arith.constant 0 : i32
      %dma_start3A_13 = arith.constant 0 : i32
      %dma_start3A_14 = tpu.memref_slice %arg2[%add3A, %dma_start3A, %dma_start3A_13] : memref<32x84x128xi32, #tpu.memory_space<hbm>> -> memref<1x84x128xi32, #tpu.memory_space<hbm>>
      %dma_start3A_15 = tpu.memref_squeeze %dma_start3A_14 : memref<1x84x128xi32, #tpu.memory_space<hbm>> -> memref<84x128xi32, #tpu.memory_space<hbm>>
      %dma_start3A_16 = arith.constant 0 : i32
      %dma_start3A_17 = arith.constant 0 : i32
      %dma_start3A_18 = tpu.memref_slice %arg2[%add3A, %dma_start3A_16, %dma_start3A_17] : memref<32x84x128xi32, #tpu.memory_space<hbm>> -> memref<1x84x128xi32, #tpu.memory_space<hbm>>
      %dma_start3A_19 = tpu.memref_squeeze %dma_start3A_18 : memref<1x84x128xi32, #tpu.memory_space<hbm>> -> memref<84x128xi32, #tpu.memory_space<hbm>>
      tpu.enqueue_dma source(%dma_start3A_19 : memref<84x128xi32, #tpu.memory_space<hbm>>) target(%arg6 : memref<84x128xi32, #tpu.memory_space<vmem>>) target_semaphore(%run_scoped3A : memref<!tpu.dma_semaphore, #tpu.memory_space<semaphore_mem>>)
      %dma_wait3A = arith.constant 0 : i32
      %dma_wait3A_20 = arith.constant 0 : i32
      %dma_wait3A_21 = tpu.memref_slice %arg2[%add3A, %dma_wait3A, %dma_wait3A_20] : memref<32x84x128xi32, #tpu.memory_space<hbm>> -> memref<1x84x128xi32, #tpu.memory_space<hbm>>
      %dma_wait3A_22 = tpu.memref_squeeze %dma_wait3A_21 : memref<1x84x128xi32, #tpu.memory_space<hbm>> -> memref<84x128xi32, #tpu.memory_space<hbm>>
      %dma_wait3A_23 = arith.constant 0 : i32
      %dma_wait3A_24 = arith.constant 0 : i32
      %dma_wait3A_25 = tpu.memref_slice %arg2[%add3A, %dma_wait3A_23, %dma_wait3A_24] : memref<32x84x128xi32, #tpu.memory_space<hbm>> -> memref<1x84x128xi32, #tpu.memory_space<hbm>>
      %dma_wait3A_26 = tpu.memref_squeeze %dma_wait3A_25 : memref<1x84x128xi32, #tpu.memory_space<hbm>> -> memref<84x128xi32, #tpu.memory_space<hbm>>
      tpu.wait_dma2 semaphore(%run_scoped3A : memref<!tpu.dma_semaphore, #tpu.memory_space<semaphore_mem>>) src(%dma_wait3A_26 : memref<84x128xi32, #tpu.memory_space<hbm>>) dst(%arg6 : memref<84x128xi32, #tpu.memory_space<vmem>>)
      tpu.yield
    }) : () -> ()
    %barrier3A = arith.constant 0 : index
    tpu.barrier barrier_id(%barrier3A)
    %scan3A = arith.constant 0 : i32
    %scan3A_3 = arith.constant 0 : i32
    %scan3A_4 = arith.constant 14 : i32
    %scan3A_5 = arith.addi %scan3A_3, %scan3A_4 : i32
    %scan3A_6 = arith.constant 1 : i32
    scf.for %scan3A_13 = %scan3A_3 to %scan3A_5 step %scan3A_6  : i32 {
      %mul3A_14 = arith.constant 6 : i32
      %mul3A_15 = arith.muli %scan3A_13, %mul3A_14 : i32
      %add3A_16 = arith.constant 0 : i32
      %add3A_17 = arith.addi %mul3A_15, %add3A_16 : i32
      %dma_start3A = arith.constant 0 : i32
      %dma_start3A_18 = tpu.memref_slice %arg6[%add3A_17, %dma_start3A] : memref<84x128xi32, #tpu.memory_space<vmem>> -> memref<1x128xi32, #tpu.memory_space<vmem>>
      %dma_start3A_19 = tpu.memref_squeeze %dma_start3A_18 : memref<1x128xi32, #tpu.memory_space<vmem>> -> memref<128xi32, #tpu.memory_space<vmem>>
      %dma_start3A_20 = arith.constant 0 : i32
      %dma_start3A_21 = arith.constant 0 : i32
      %dma_start3A_22 = tpu.memref_slice %arg8[%dma_start3A_20, %dma_start3A_21] : memref<10240x128xf32, #tpu.memory_space<vmem_shared>> -> memref<10240x128xf32, #tpu.memory_space<vmem_shared>>
      tpu.enqueue_indirect_dma source(%arg7 : memref<128x128xf32, #tpu.memory_space<vmem>>) target(%dma_start3A_22 : memref<10240x128xf32, #tpu.memory_space<vmem_shared>>) offsets(%dma_start3A_19 : memref<128xi32, #tpu.memory_space<vmem>>) semaphore(%arg9 : memref<!tpu.dma_semaphore, #tpu.memory_space<semaphore_mem>>) {add = true}
      %mul3A_23 = arith.constant 6 : i32
      %mul3A_24 = arith.muli %scan3A_13, %mul3A_23 : i32
      %add3A_25 = arith.constant 1 : i32
      %add3A_26 = arith.addi %mul3A_24, %add3A_25 : i32
      %dma_start3A_27 = arith.constant 0 : i32
      %dma_start3A_28 = tpu.memref_slice %arg6[%add3A_26, %dma_start3A_27] : memref<84x128xi32, #tpu.memory_space<vmem>> -> memref<1x128xi32, #tpu.memory_space<vmem>>
      %dma_start3A_29 = tpu.memref_squeeze %dma_start3A_28 : memref<1x128xi32, #tpu.memory_space<vmem>> -> memref<128xi32, #tpu.memory_space<vmem>>
      %dma_start3A_30 = arith.constant 0 : i32
      %dma_start3A_31 = arith.constant 0 : i32
      %dma_start3A_32 = tpu.memref_slice %arg8[%dma_start3A_30, %dma_start3A_31] : memref<10240x128xf32, #tpu.memory_space<vmem_shared>> -> memref<10240x128xf32, #tpu.memory_space<vmem_shared>>
      tpu.enqueue_indirect_dma source(%arg7 : memref<128x128xf32, #tpu.memory_space<vmem>>) target(%dma_start3A_32 : memref<10240x128xf32, #tpu.memory_space<vmem_shared>>) offsets(%dma_start3A_29 : memref<128xi32, #tpu.memory_space<vmem>>) semaphore(%arg9 : memref<!tpu.dma_semaphore, #tpu.memory_space<semaphore_mem>>) {add = true}
      %mul3A_33 = arith.constant 6 : i32
      %mul3A_34 = arith.muli %scan3A_13, %mul3A_33 : i32
      %add3A_35 = arith.constant 2 : i32
      %add3A_36 = arith.addi %mul3A_34, %add3A_35 : i32
      %dma_start3A_37 = arith.constant 0 : i32
      %dma_start3A_38 = tpu.memref_slice %arg6[%add3A_36, %dma_start3A_37] : memref<84x128xi32, #tpu.memory_space<vmem>> -> memref<1x128xi32, #tpu.memory_space<vmem>>
      %dma_start3A_39 = tpu.memref_squeeze %dma_start3A_38 : memref<1x128xi32, #tpu.memory_space<vmem>> -> memref<128xi32, #tpu.memory_space<vmem>>
      %dma_start3A_40 = arith.constant 0 : i32
      %dma_start3A_41 = arith.constant 0 : i32
      %dma_start3A_42 = tpu.memref_slice %arg8[%dma_start3A_40, %dma_start3A_41] : memref<10240x128xf32, #tpu.memory_space<vmem_shared>> -> memref<10240x128xf32, #tpu.memory_space<vmem_shared>>
      tpu.enqueue_indirect_dma source(%arg7 : memref<128x128xf32, #tpu.memory_space<vmem>>) target(%dma_start3A_42 : memref<10240x128xf32, #tpu.memory_space<vmem_shared>>) offsets(%dma_start3A_39 : memref<128xi32, #tpu.memory_space<vmem>>) semaphore(%arg9 : memref<!tpu.dma_semaphore, #tpu.memory_space<semaphore_mem>>) {add = true}
      %mul3A_43 = arith.constant 6 : i32
      %mul3A_44 = arith.muli %scan3A_13, %mul3A_43 : i32
      %add3A_45 = arith.constant 3 : i32
      %add3A_46 = arith.addi %mul3A_44, %add3A_45 : i32
      %dma_start3A_47 = arith.constant 0 : i32
      %dma_start3A_48 = tpu.memref_slice %arg6[%add3A_46, %dma_start3A_47] : memref<84x128xi32, #tpu.memory_space<vmem>> -> memref<1x128xi32, #tpu.memory_space<vmem>>
      %dma_start3A_49 = tpu.memref_squeeze %dma_start3A_48 : memref<1x128xi32, #tpu.memory_space<vmem>> -> memref<128xi32, #tpu.memory_space<vmem>>
      %dma_start3A_50 = arith.constant 0 : i32
      %dma_start3A_51 = arith.constant 0 : i32
      %dma_start3A_52 = tpu.memref_slice %arg8[%dma_start3A_50, %dma_start3A_51] : memref<10240x128xf32, #tpu.memory_space<vmem_shared>> -> memref<10240x128xf32, #tpu.memory_space<vmem_shared>>
      tpu.enqueue_indirect_dma source(%arg7 : memref<128x128xf32, #tpu.memory_space<vmem>>) target(%dma_start3A_52 : memref<10240x128xf32, #tpu.memory_space<vmem_shared>>) offsets(%dma_start3A_49 : memref<128xi32, #tpu.memory_space<vmem>>) semaphore(%arg9 : memref<!tpu.dma_semaphore, #tpu.memory_space<semaphore_mem>>) {add = true}
      %mul3A_53 = arith.constant 6 : i32
      %mul3A_54 = arith.muli %scan3A_13, %mul3A_53 : i32
      %add3A_55 = arith.constant 4 : i32
      %add3A_56 = arith.addi %mul3A_54, %add3A_55 : i32
      %dma_start3A_57 = arith.constant 0 : i32
      %dma_start3A_58 = tpu.memref_slice %arg6[%add3A_56, %dma_start3A_57] : memref<84x128xi32, #tpu.memory_space<vmem>> -> memref<1x128xi32, #tpu.memory_space<vmem>>
      %dma_start3A_59 = tpu.memref_squeeze %dma_start3A_58 : memref<1x128xi32, #tpu.memory_space<vmem>> -> memref<128xi32, #tpu.memory_space<vmem>>
      %dma_start3A_60 = arith.constant 0 : i32
      %dma_start3A_61 = arith.constant 0 : i32
      %dma_start3A_62 = tpu.memref_slice %arg8[%dma_start3A_60, %dma_start3A_61] : memref<10240x128xf32, #tpu.memory_space<vmem_shared>> -> memref<10240x128xf32, #tpu.memory_space<vmem_shared>>
      tpu.enqueue_indirect_dma source(%arg7 : memref<128x128xf32, #tpu.memory_space<vmem>>) target(%dma_start3A_62 : memref<10240x128xf32, #tpu.memory_space<vmem_shared>>) offsets(%dma_start3A_59 : memref<128xi32, #tpu.memory_space<vmem>>) semaphore(%arg9 : memref<!tpu.dma_semaphore, #tpu.memory_space<semaphore_mem>>) {add = true}
      %mul3A_63 = arith.constant 6 : i32
      %mul3A_64 = arith.muli %scan3A_13, %mul3A_63 : i32
      %add3A_65 = arith.constant 5 : i32
      %add3A_66 = arith.addi %mul3A_64, %add3A_65 : i32
      %dma_start3A_67 = arith.constant 0 : i32
      %dma_start3A_68 = tpu.memref_slice %arg6[%add3A_66, %dma_start3A_67] : memref<84x128xi32, #tpu.memory_space<vmem>> -> memref<1x128xi32, #tpu.memory_space<vmem>>
      %dma_start3A_69 = tpu.memref_squeeze %dma_start3A_68 : memref<1x128xi32, #tpu.memory_space<vmem>> -> memref<128xi32, #tpu.memory_space<vmem>>
      %dma_start3A_70 = arith.constant 0 : i32
      %dma_start3A_71 = arith.constant 0 : i32
      %dma_start3A_72 = tpu.memref_slice %arg8[%dma_start3A_70, %dma_start3A_71] : memref<10240x128xf32, #tpu.memory_space<vmem_shared>> -> memref<10240x128xf32, #tpu.memory_space<vmem_shared>>
      tpu.enqueue_indirect_dma source(%arg7 : memref<128x128xf32, #tpu.memory_space<vmem>>) target(%dma_start3A_72 : memref<10240x128xf32, #tpu.memory_space<vmem_shared>>) offsets(%dma_start3A_69 : memref<128xi32, #tpu.memory_space<vmem>>) semaphore(%arg9 : memref<!tpu.dma_semaphore, #tpu.memory_space<semaphore_mem>>) {add = true}
      %mul3A_73 = arith.constant 6 : i32
      %mul3A_74 = arith.muli %scan3A_13, %mul3A_73 : i32
      %add3A_75 = arith.constant 0 : i32
      %add3A_76 = arith.addi %mul3A_74, %add3A_75 : i32
      %dma_wait3A = arith.constant 0 : i32
      %dma_wait3A_77 = tpu.memref_slice %arg6[%add3A_76, %dma_wait3A] : memref<84x128xi32, #tpu.memory_space<vmem>> -> memref<1x128xi32, #tpu.memory_space<vmem>>
      %dma_wait3A_78 = tpu.memref_squeeze %dma_wait3A_77 : memref<1x128xi32, #tpu.memory_space<vmem>> -> memref<128xi32, #tpu.memory_space<vmem>>
      %dma_wait3A_79 = arith.constant 0 : i32
      %dma_wait3A_80 = arith.constant 0 : i32
      %dma_wait3A_81 = tpu.memref_slice %arg8[%dma_wait3A_79, %dma_wait3A_80] : memref<10240x128xf32, #tpu.memory_space<vmem_shared>> -> memref<10240x128xf32, #tpu.memory_space<vmem_shared>>
      tpu.wait_indirect_dma semaphore(%arg9 : memref<!tpu.dma_semaphore, #tpu.memory_space<semaphore_mem>>) src(%arg7 : memref<128x128xf32, #tpu.memory_space<vmem>>) dst(%dma_wait3A_81 : memref<10240x128xf32, #tpu.memory_space<vmem_shared>>)
      %mul3A_82 = arith.constant 6 : i32
      %mul3A_83 = arith.muli %scan3A_13, %mul3A_82 : i32
      %add3A_84 = arith.constant 1 : i32
      %add3A_85 = arith.addi %mul3A_83, %add3A_84 : i32
      %dma_wait3A_86 = arith.constant 0 : i32
      %dma_wait3A_87 = tpu.memref_slice %arg6[%add3A_85, %dma_wait3A_86] : memref<84x128xi32, #tpu.memory_space<vmem>> -> memref<1x128xi32, #tpu.memory_space<vmem>>
      %dma_wait3A_88 = tpu.memref_squeeze %dma_wait3A_87 : memref<1x128xi32, #tpu.memory_space<vmem>> -> memref<128xi32, #tpu.memory_space<vmem>>
      %dma_wait3A_89 = arith.constant 0 : i32
      %dma_wait3A_90 = arith.constant 0 : i32
      %dma_wait3A_91 = tpu.memref_slice %arg8[%dma_wait3A_89, %dma_wait3A_90] : memref<10240x128xf32, #tpu.memory_space<vmem_shared>> -> memref<10240x128xf32, #tpu.memory_space<vmem_shared>>
      tpu.wait_indirect_dma semaphore(%arg9 : memref<!tpu.dma_semaphore, #tpu.memory_space<semaphore_mem>>) src(%arg7 : memref<128x128xf32, #tpu.memory_space<vmem>>) dst(%dma_wait3A_91 : memref<10240x128xf32, #tpu.memory_space<vmem_shared>>)
      %mul3A_92 = arith.constant 6 : i32
      %mul3A_93 = arith.muli %scan3A_13, %mul3A_92 : i32
      %add3A_94 = arith.constant 2 : i32
      %add3A_95 = arith.addi %mul3A_93, %add3A_94 : i32
      %dma_wait3A_96 = arith.constant 0 : i32
      %dma_wait3A_97 = tpu.memref_slice %arg6[%add3A_95, %dma_wait3A_96] : memref<84x128xi32, #tpu.memory_space<vmem>> -> memref<1x128xi32, #tpu.memory_space<vmem>>
      %dma_wait3A_98 = tpu.memref_squeeze %dma_wait3A_97 : memref<1x128xi32, #tpu.memory_space<vmem>> -> memref<128xi32, #tpu.memory_space<vmem>>
      %dma_wait3A_99 = arith.constant 0 : i32
      %dma_wait3A_100 = arith.constant 0 : i32
      %dma_wait3A_101 = tpu.memref_slice %arg8[%dma_wait3A_99, %dma_wait3A_100] : memref<10240x128xf32, #tpu.memory_space<vmem_shared>> -> memref<10240x128xf32, #tpu.memory_space<vmem_shared>>
      tpu.wait_indirect_dma semaphore(%arg9 : memref<!tpu.dma_semaphore, #tpu.memory_space<semaphore_mem>>) src(%arg7 : memref<128x128xf32, #tpu.memory_space<vmem>>) dst(%dma_wait3A_101 : memref<10240x128xf32, #tpu.memory_space<vmem_shared>>)
      %mul3A_102 = arith.constant 6 : i32
      %mul3A_103 = arith.muli %scan3A_13, %mul3A_102 : i32
      %add3A_104 = arith.constant 3 : i32
      %add3A_105 = arith.addi %mul3A_103, %add3A_104 : i32
      %dma_wait3A_106 = arith.constant 0 : i32
      %dma_wait3A_107 = tpu.memref_slice %arg6[%add3A_105, %dma_wait3A_106] : memref<84x128xi32, #tpu.memory_space<vmem>> -> memref<1x128xi32, #tpu.memory_space<vmem>>
      %dma_wait3A_108 = tpu.memref_squeeze %dma_wait3A_107 : memref<1x128xi32, #tpu.memory_space<vmem>> -> memref<128xi32, #tpu.memory_space<vmem>>
      %dma_wait3A_109 = arith.constant 0 : i32
      %dma_wait3A_110 = arith.constant 0 : i32
      %dma_wait3A_111 = tpu.memref_slice %arg8[%dma_wait3A_109, %dma_wait3A_110] : memref<10240x128xf32, #tpu.memory_space<vmem_shared>> -> memref<10240x128xf32, #tpu.memory_space<vmem_shared>>
      tpu.wait_indirect_dma semaphore(%arg9 : memref<!tpu.dma_semaphore, #tpu.memory_space<semaphore_mem>>) src(%arg7 : memref<128x128xf32, #tpu.memory_space<vmem>>) dst(%dma_wait3A_111 : memref<10240x128xf32, #tpu.memory_space<vmem_shared>>)
      %mul3A_112 = arith.constant 6 : i32
      %mul3A_113 = arith.muli %scan3A_13, %mul3A_112 : i32
      %add3A_114 = arith.constant 4 : i32
      %add3A_115 = arith.addi %mul3A_113, %add3A_114 : i32
      %dma_wait3A_116 = arith.constant 0 : i32
      %dma_wait3A_117 = tpu.memref_slice %arg6[%add3A_115, %dma_wait3A_116] : memref<84x128xi32, #tpu.memory_space<vmem>> -> memref<1x128xi32, #tpu.memory_space<vmem>>
      %dma_wait3A_118 = tpu.memref_squeeze %dma_wait3A_117 : memref<1x128xi32, #tpu.memory_space<vmem>> -> memref<128xi32, #tpu.memory_space<vmem>>
      %dma_wait3A_119 = arith.constant 0 : i32
      %dma_wait3A_120 = arith.constant 0 : i32
      %dma_wait3A_121 = tpu.memref_slice %arg8[%dma_wait3A_119, %dma_wait3A_120] : memref<10240x128xf32, #tpu.memory_space<vmem_shared>> -> memref<10240x128xf32, #tpu.memory_space<vmem_shared>>
      tpu.wait_indirect_dma semaphore(%arg9 : memref<!tpu.dma_semaphore, #tpu.memory_space<semaphore_mem>>) src(%arg7 : memref<128x128xf32, #tpu.memory_space<vmem>>) dst(%dma_wait3A_121 : memref<10240x128xf32, #tpu.memory_space<vmem_shared>>)
      %mul3A_122 = arith.constant 6 : i32
      %mul3A_123 = arith.muli %scan3A_13, %mul3A_122 : i32
      %add3A_124 = arith.constant 5 : i32
      %add3A_125 = arith.addi %mul3A_123, %add3A_124 : i32
      %dma_wait3A_126 = arith.constant 0 : i32
      %dma_wait3A_127 = tpu.memref_slice %arg6[%add3A_125, %dma_wait3A_126] : memref<84x128xi32, #tpu.memory_space<vmem>> -> memref<1x128xi32, #tpu.memory_space<vmem>>
      %dma_wait3A_128 = tpu.memref_squeeze %dma_wait3A_127 : memref<1x128xi32, #tpu.memory_space<vmem>> -> memref<128xi32, #tpu.memory_space<vmem>>
      %dma_wait3A_129 = arith.constant 0 : i32
      %dma_wait3A_130 = arith.constant 0 : i32
      %dma_wait3A_131 = tpu.memref_slice %arg8[%dma_wait3A_129, %dma_wait3A_130] : memref<10240x128xf32, #tpu.memory_space<vmem_shared>> -> memref<10240x128xf32, #tpu.memory_space<vmem_shared>>
      tpu.wait_indirect_dma semaphore(%arg9 : memref<!tpu.dma_semaphore, #tpu.memory_space<semaphore_mem>>) src(%arg7 : memref<128x128xf32, #tpu.memory_space<vmem>>) dst(%dma_wait3A_131 : memref<10240x128xf32, #tpu.memory_space<vmem_shared>>)
    }
    %scan3A_7 = arith.constant 14 : i32
    %barrier3A_8 = arith.constant 0 : index
    tpu.barrier barrier_id(%barrier3A_8)
    %mul3A_9 = arith.constant 640 : i32
    %mul3A_10 = arith.muli %arg1, %mul3A_9 : i32
    %mul3A_11 = arith.constant 640 : i32
    %mul3A_12 = arith.muli %arg1, %mul3A_11 : i32
    "tpu.region"() ({
      %run_scoped3A = tpu.sem_alloc : memref<!tpu.dma_semaphore, #tpu.memory_space<semaphore_mem>>
      %dma_start3A = arith.constant 0 : i32
      %dma_start3A_13 = tpu.memref_slice %arg5[%arg0, %mul3A_12, %dma_start3A] : memref<2x10240x128xf32, #tpu.memory_space<hbm>> -> memref<1x640x128xf32, #tpu.memory_space<hbm>>
      %dma_start3A_14 = tpu.memref_squeeze %dma_start3A_13 : memref<1x640x128xf32, #tpu.memory_space<hbm>> -> memref<640x128xf32, #tpu.memory_space<hbm>>
      %dma_start3A_15 = arith.constant 0 : i32
      %dma_start3A_16 = tpu.memref_slice %arg8[%mul3A_10, %dma_start3A_15] : memref<10240x128xf32, #tpu.memory_space<vmem_shared>> -> memref<640x128xf32, #tpu.memory_space<vmem_shared>>
      tpu.enqueue_dma source(%dma_start3A_16 : memref<640x128xf32, #tpu.memory_space<vmem_shared>>) target(%dma_start3A_14 : memref<640x128xf32, #tpu.memory_space<hbm>>) target_semaphore(%run_scoped3A : memref<!tpu.dma_semaphore, #tpu.memory_space<semaphore_mem>>)
      %dma_wait3A = arith.constant 0 : i32
      %dma_wait3A_17 = tpu.memref_slice %arg5[%arg0, %mul3A_12, %dma_wait3A] : memref<2x10240x128xf32, #tpu.memory_space<hbm>> -> memref<1x640x128xf32, #tpu.memory_space<hbm>>
      %dma_wait3A_18 = tpu.memref_squeeze %dma_wait3A_17 : memref<1x640x128xf32, #tpu.memory_space<hbm>> -> memref<640x128xf32, #tpu.memory_space<hbm>>
      %dma_wait3A_19 = arith.constant 0 : i32
      %dma_wait3A_20 = tpu.memref_slice %arg8[%mul3A_10, %dma_wait3A_19] : memref<10240x128xf32, #tpu.memory_space<vmem_shared>> -> memref<640x128xf32, #tpu.memory_space<vmem_shared>>
      tpu.wait_dma2 semaphore(%run_scoped3A : memref<!tpu.dma_semaphore, #tpu.memory_space<semaphore_mem>>) src(%dma_wait3A_20 : memref<640x128xf32, #tpu.memory_space<vmem_shared>>) dst(%dma_wait3A_18 : memref<640x128xf32, #tpu.memory_space<hbm>>)
      tpu.yield
    }) : () -> ()
    return
  }
}

#map = affine_map<(d0, d1) -> (0, 0)>
#map1 = affine_map<(d0, d1) -> (0, 0, 0)>
module attributes {stable_mosaic.version = 14 : i64} {
  func.func @_sc_gather_scatter(%arg0: i32, %arg1: i32, %arg2: memref<10240x128xf32, #tpu.memory_space<hbm>>, %arg3: memref<32x84x128xi32, #tpu.memory_space<hbm>>, %arg4: memref<32x84x128xi32, #tpu.memory_space<hbm>>, %arg5: memref<640x128xf32, #tpu.memory_space<hbm>>, %arg6: memref<2x10240x128xf32, #tpu.memory_space<hbm>>, %arg7: memref<84x128xi32, #tpu.memory_space<vmem>>, %arg8: memref<84x128xi32, #tpu.memory_space<vmem>>, %arg9: memref<128x128xf32, #tpu.memory_space<vmem>>, %arg10: memref<10240x128xf32, #tpu.memory_space<vmem_shared>>, %arg11: memref<!tpu.dma_semaphore, #tpu.memory_space<semaphore_mem>>) attributes {dimension_semantics = [#tpu.dimension_semantics<core_parallel>, #tpu.dimension_semantics<subcore_parallel>], iteration_bounds = array<i64: 2, 16>, scalar_prefetch = 0 : i64, scratch_operands = 5 : i64, tpu.core_type = #tpu.core_type<sc_vector_subcore>, window_params = [{transform_indices = #map}, {transform_indices = #map1}, {transform_indices = #map1}, {transform_indices = #map}, {transform_indices = #map1}]} {
    %mul3A = arith.constant 16 : i32
    %mul3A_0 = arith.muli %arg0, %mul3A : i32
    %add3A = arith.addi %mul3A_0, %arg1 : i32
    %mul3A_1 = arith.constant 640 : i32
    %mul3A_2 = arith.muli %arg1, %mul3A_1 : i32
    "tpu.region"() ({
      %run_scoped3A_25 = tpu.sem_alloc : memref<!tpu.dma_semaphore, #tpu.memory_space<semaphore_mem>>
      %dma_start3A_26 = arith.constant 0 : i32
      %dma_start3A_27 = tpu.memref_slice %arg10[%mul3A_2, %dma_start3A_26] : memref<10240x128xf32, #tpu.memory_space<vmem_shared>> -> memref<640x128xf32, #tpu.memory_space<vmem_shared>>
      tpu.enqueue_dma source(%arg5 : memref<640x128xf32, #tpu.memory_space<hbm>>) target(%dma_start3A_27 : memref<640x128xf32, #tpu.memory_space<vmem_shared>>) target_semaphore(%run_scoped3A_25 : memref<!tpu.dma_semaphore, #tpu.memory_space<semaphore_mem>>)
      %dma_wait3A_28 = arith.constant 0 : i32
      %dma_wait3A_29 = tpu.memref_slice %arg10[%mul3A_2, %dma_wait3A_28] : memref<10240x128xf32, #tpu.memory_space<vmem_shared>> -> memref<640x128xf32, #tpu.memory_space<vmem_shared>>
      tpu.wait_dma2 semaphore(%run_scoped3A_25 : memref<!tpu.dma_semaphore, #tpu.memory_space<semaphore_mem>>) src(%arg5 : memref<640x128xf32, #tpu.memory_space<hbm>>) dst(%dma_wait3A_29 : memref<640x128xf32, #tpu.memory_space<vmem_shared>>)
      tpu.yield
    }) : () -> ()
    "tpu.region"() ({
      %run_scoped3A_25 = tpu.sem_alloc : memref<!tpu.dma_semaphore, #tpu.memory_space<semaphore_mem>>
      %dma_start3A_26 = arith.constant 0 : i32
      %dma_start3A_27 = arith.constant 0 : i32
      %dma_start3A_28 = tpu.memref_slice %arg3[%add3A, %dma_start3A_26, %dma_start3A_27] : memref<32x84x128xi32, #tpu.memory_space<hbm>> -> memref<1x84x128xi32, #tpu.memory_space<hbm>>
      %dma_start3A_29 = tpu.memref_squeeze %dma_start3A_28 : memref<1x84x128xi32, #tpu.memory_space<hbm>> -> memref<84x128xi32, #tpu.memory_space<hbm>>
      %dma_start3A_30 = arith.constant 0 : i32
      %dma_start3A_31 = arith.constant 0 : i32
      %dma_start3A_32 = tpu.memref_slice %arg3[%add3A, %dma_start3A_30, %dma_start3A_31] : memref<32x84x128xi32, #tpu.memory_space<hbm>> -> memref<1x84x128xi32, #tpu.memory_space<hbm>>
      %dma_start3A_33 = tpu.memref_squeeze %dma_start3A_32 : memref<1x84x128xi32, #tpu.memory_space<hbm>> -> memref<84x128xi32, #tpu.memory_space<hbm>>
      tpu.enqueue_dma source(%dma_start3A_33 : memref<84x128xi32, #tpu.memory_space<hbm>>) target(%arg7 : memref<84x128xi32, #tpu.memory_space<vmem>>) target_semaphore(%run_scoped3A_25 : memref<!tpu.dma_semaphore, #tpu.memory_space<semaphore_mem>>)
      %dma_wait3A_34 = arith.constant 0 : i32
      %dma_wait3A_35 = arith.constant 0 : i32
      %dma_wait3A_36 = tpu.memref_slice %arg3[%add3A, %dma_wait3A_34, %dma_wait3A_35] : memref<32x84x128xi32, #tpu.memory_space<hbm>> -> memref<1x84x128xi32, #tpu.memory_space<hbm>>
      %dma_wait3A_37 = tpu.memref_squeeze %dma_wait3A_36 : memref<1x84x128xi32, #tpu.memory_space<hbm>> -> memref<84x128xi32, #tpu.memory_space<hbm>>
      %dma_wait3A_38 = arith.constant 0 : i32
      %dma_wait3A_39 = arith.constant 0 : i32
      %dma_wait3A_40 = tpu.memref_slice %arg3[%add3A, %dma_wait3A_38, %dma_wait3A_39] : memref<32x84x128xi32, #tpu.memory_space<hbm>> -> memref<1x84x128xi32, #tpu.memory_space<hbm>>
      %dma_wait3A_41 = tpu.memref_squeeze %dma_wait3A_40 : memref<1x84x128xi32, #tpu.memory_space<hbm>> -> memref<84x128xi32, #tpu.memory_space<hbm>>
      tpu.wait_dma2 semaphore(%run_scoped3A_25 : memref<!tpu.dma_semaphore, #tpu.memory_space<semaphore_mem>>) src(%dma_wait3A_41 : memref<84x128xi32, #tpu.memory_space<hbm>>) dst(%arg7 : memref<84x128xi32, #tpu.memory_space<vmem>>)
      tpu.yield
    }) : () -> ()
    "tpu.region"() ({
      %run_scoped3A_25 = tpu.sem_alloc : memref<!tpu.dma_semaphore, #tpu.memory_space<semaphore_mem>>
      %dma_start3A_26 = arith.constant 0 : i32
      %dma_start3A_27 = arith.constant 0 : i32
      %dma_start3A_28 = tpu.memref_slice %arg4[%add3A, %dma_start3A_26, %dma_start3A_27] : memref<32x84x128xi32, #tpu.memory_space<hbm>> -> memref<1x84x128xi32, #tpu.memory_space<hbm>>
      %dma_start3A_29 = tpu.memref_squeeze %dma_start3A_28 : memref<1x84x128xi32, #tpu.memory_space<hbm>> -> memref<84x128xi32, #tpu.memory_space<hbm>>
      %dma_start3A_30 = arith.constant 0 : i32
      %dma_start3A_31 = arith.constant 0 : i32
      %dma_start3A_32 = tpu.memref_slice %arg4[%add3A, %dma_start3A_30, %dma_start3A_31] : memref<32x84x128xi32, #tpu.memory_space<hbm>> -> memref<1x84x128xi32, #tpu.memory_space<hbm>>
      %dma_start3A_33 = tpu.memref_squeeze %dma_start3A_32 : memref<1x84x128xi32, #tpu.memory_space<hbm>> -> memref<84x128xi32, #tpu.memory_space<hbm>>
      tpu.enqueue_dma source(%dma_start3A_33 : memref<84x128xi32, #tpu.memory_space<hbm>>) target(%arg8 : memref<84x128xi32, #tpu.memory_space<vmem>>) target_semaphore(%run_scoped3A_25 : memref<!tpu.dma_semaphore, #tpu.memory_space<semaphore_mem>>)
      %dma_wait3A_34 = arith.constant 0 : i32
      %dma_wait3A_35 = arith.constant 0 : i32
      %dma_wait3A_36 = tpu.memref_slice %arg4[%add3A, %dma_wait3A_34, %dma_wait3A_35] : memref<32x84x128xi32, #tpu.memory_space<hbm>> -> memref<1x84x128xi32, #tpu.memory_space<hbm>>
      %dma_wait3A_37 = tpu.memref_squeeze %dma_wait3A_36 : memref<1x84x128xi32, #tpu.memory_space<hbm>> -> memref<84x128xi32, #tpu.memory_space<hbm>>
      %dma_wait3A_38 = arith.constant 0 : i32
      %dma_wait3A_39 = arith.constant 0 : i32
      %dma_wait3A_40 = tpu.memref_slice %arg4[%add3A, %dma_wait3A_38, %dma_wait3A_39] : memref<32x84x128xi32, #tpu.memory_space<hbm>> -> memref<1x84x128xi32, #tpu.memory_space<hbm>>
      %dma_wait3A_41 = tpu.memref_squeeze %dma_wait3A_40 : memref<1x84x128xi32, #tpu.memory_space<hbm>> -> memref<84x128xi32, #tpu.memory_space<hbm>>
      tpu.wait_dma2 semaphore(%run_scoped3A_25 : memref<!tpu.dma_semaphore, #tpu.memory_space<semaphore_mem>>) src(%dma_wait3A_41 : memref<84x128xi32, #tpu.memory_space<hbm>>) dst(%arg8 : memref<84x128xi32, #tpu.memory_space<vmem>>)
      tpu.yield
    }) : () -> ()
    %barrier3A = arith.constant 0 : index
    tpu.barrier barrier_id(%barrier3A)
    %dma_start3A = arith.constant 0 : i32
    %dma_start3A_3 = arith.constant 0 : i32
    %dma_start3A_4 = tpu.memref_slice %arg7[%dma_start3A, %dma_start3A_3] : memref<84x128xi32, #tpu.memory_space<vmem>> -> memref<1x128xi32, #tpu.memory_space<vmem>>
    %dma_start3A_5 = tpu.memref_squeeze %dma_start3A_4 : memref<1x128xi32, #tpu.memory_space<vmem>> -> memref<128xi32, #tpu.memory_space<vmem>>
    %dma_start3A_6 = arith.constant 0 : i32
    %dma_start3A_7 = arith.constant 0 : i32
    %dma_start3A_8 = tpu.memref_slice %arg2[%dma_start3A_6, %dma_start3A_7] : memref<10240x128xf32, #tpu.memory_space<hbm>> -> memref<10240x128xf32, #tpu.memory_space<hbm>>
    tpu.enqueue_indirect_dma source(%dma_start3A_8 : memref<10240x128xf32, #tpu.memory_space<hbm>>) target(%arg9 : memref<128x128xf32, #tpu.memory_space<vmem>>) offsets(%dma_start3A_5 : memref<128xi32, #tpu.memory_space<vmem>>) semaphore(%arg11 : memref<!tpu.dma_semaphore, #tpu.memory_space<semaphore_mem>>)
    %scan3A = arith.constant 0 : i32
    %scan3A_9 = arith.constant 0 : i32
    %scan3A_10 = arith.constant 83 : i32
    %scan3A_11 = arith.addi %scan3A_9, %scan3A_10 : i32
    %scan3A_12 = arith.constant 1 : i32
    scf.for %scan3A_25 = %scan3A_9 to %scan3A_11 step %scan3A_12  : i32 {
      %dma_wait3A_26 = arith.constant 0 : i32
      %dma_wait3A_27 = tpu.memref_slice %arg7[%scan3A_25, %dma_wait3A_26] : memref<84x128xi32, #tpu.memory_space<vmem>> -> memref<1x128xi32, #tpu.memory_space<vmem>>
      %dma_wait3A_28 = tpu.memref_squeeze %dma_wait3A_27 : memref<1x128xi32, #tpu.memory_space<vmem>> -> memref<128xi32, #tpu.memory_space<vmem>>
      %dma_wait3A_29 = arith.constant 0 : i32
      %dma_wait3A_30 = arith.constant 0 : i32
      %dma_wait3A_31 = tpu.memref_slice %arg2[%dma_wait3A_29, %dma_wait3A_30] : memref<10240x128xf32, #tpu.memory_space<hbm>> -> memref<10240x128xf32, #tpu.memory_space<hbm>>
      tpu.wait_indirect_dma semaphore(%arg11 : memref<!tpu.dma_semaphore, #tpu.memory_space<semaphore_mem>>) src(%dma_wait3A_31 : memref<10240x128xf32, #tpu.memory_space<hbm>>) dst(%arg9 : memref<128x128xf32, #tpu.memory_space<vmem>>)
      "tpu.region"() ({
        %run_scoped3A_40 = tpu.sem_alloc : memref<!tpu.dma_semaphore, #tpu.memory_space<semaphore_mem>>
        %dma_start3A_41 = arith.constant 0 : i32
        %dma_start3A_42 = tpu.memref_slice %arg8[%scan3A_25, %dma_start3A_41] : memref<84x128xi32, #tpu.memory_space<vmem>> -> memref<1x128xi32, #tpu.memory_space<vmem>>
        %dma_start3A_43 = tpu.memref_squeeze %dma_start3A_42 : memref<1x128xi32, #tpu.memory_space<vmem>> -> memref<128xi32, #tpu.memory_space<vmem>>
        %dma_start3A_44 = arith.constant 0 : i32
        %dma_start3A_45 = arith.constant 0 : i32
        %dma_start3A_46 = tpu.memref_slice %arg10[%dma_start3A_44, %dma_start3A_45] : memref<10240x128xf32, #tpu.memory_space<vmem_shared>> -> memref<10240x128xf32, #tpu.memory_space<vmem_shared>>
        tpu.enqueue_indirect_dma source(%arg9 : memref<128x128xf32, #tpu.memory_space<vmem>>) target(%dma_start3A_46 : memref<10240x128xf32, #tpu.memory_space<vmem_shared>>) offsets(%dma_start3A_43 : memref<128xi32, #tpu.memory_space<vmem>>) semaphore(%run_scoped3A_40 : memref<!tpu.dma_semaphore, #tpu.memory_space<semaphore_mem>>) {add = true}
        %dma_wait3A_47 = arith.constant 0 : i32
        %dma_wait3A_48 = tpu.memref_slice %arg8[%scan3A_25, %dma_wait3A_47] : memref<84x128xi32, #tpu.memory_space<vmem>> -> memref<1x128xi32, #tpu.memory_space<vmem>>
        %dma_wait3A_49 = tpu.memref_squeeze %dma_wait3A_48 : memref<1x128xi32, #tpu.memory_space<vmem>> -> memref<128xi32, #tpu.memory_space<vmem>>
        %dma_wait3A_50 = arith.constant 0 : i32
        %dma_wait3A_51 = arith.constant 0 : i32
        %dma_wait3A_52 = tpu.memref_slice %arg10[%dma_wait3A_50, %dma_wait3A_51] : memref<10240x128xf32, #tpu.memory_space<vmem_shared>> -> memref<10240x128xf32, #tpu.memory_space<vmem_shared>>
        tpu.wait_indirect_dma semaphore(%run_scoped3A_40 : memref<!tpu.dma_semaphore, #tpu.memory_space<semaphore_mem>>) src(%arg9 : memref<128x128xf32, #tpu.memory_space<vmem>>) dst(%dma_wait3A_52 : memref<10240x128xf32, #tpu.memory_space<vmem_shared>>)
        tpu.yield
      }) : () -> ()
      %add3A_32 = arith.constant 1 : i32
      %add3A_33 = arith.addi %scan3A_25, %add3A_32 : i32
      %dma_start3A_34 = arith.constant 0 : i32
      %dma_start3A_35 = tpu.memref_slice %arg7[%add3A_33, %dma_start3A_34] : memref<84x128xi32, #tpu.memory_space<vmem>> -> memref<1x128xi32, #tpu.memory_space<vmem>>
      %dma_start3A_36 = tpu.memref_squeeze %dma_start3A_35 : memref<1x128xi32, #tpu.memory_space<vmem>> -> memref<128xi32, #tpu.memory_space<vmem>>
      %dma_start3A_37 = arith.constant 0 : i32
      %dma_start3A_38 = arith.constant 0 : i32
      %dma_start3A_39 = tpu.memref_slice %arg2[%dma_start3A_37, %dma_start3A_38] : memref<10240x128xf32, #tpu.memory_space<hbm>> -> memref<10240x128xf32, #tpu.memory_space<hbm>>
      tpu.enqueue_indirect_dma source(%dma_start3A_39 : memref<10240x128xf32, #tpu.memory_space<hbm>>) target(%arg9 : memref<128x128xf32, #tpu.memory_space<vmem>>) offsets(%dma_start3A_36 : memref<128xi32, #tpu.memory_space<vmem>>) semaphore(%arg11 : memref<!tpu.dma_semaphore, #tpu.memory_space<semaphore_mem>>)
    }
    %scan3A_13 = arith.constant 83 : i32
    %dma_wait3A = arith.constant 83 : i32
    %dma_wait3A_14 = arith.constant 0 : i32
    %dma_wait3A_15 = tpu.memref_slice %arg7[%dma_wait3A, %dma_wait3A_14] : memref<84x128xi32, #tpu.memory_space<vmem>> -> memref<1x128xi32, #tpu.memory_space<vmem>>
    %dma_wait3A_16 = tpu.memref_squeeze %dma_wait3A_15 : memref<1x128xi32, #tpu.memory_space<vmem>> -> memref<128xi32, #tpu.memory_space<vmem>>
    %dma_wait3A_17 = arith.constant 0 : i32
    %dma_wait3A_18 = arith.constant 0 : i32
    %dma_wait3A_19 = tpu.memref_slice %arg2[%dma_wait3A_17, %dma_wait3A_18] : memref<10240x128xf32, #tpu.memory_space<hbm>> -> memref<10240x128xf32, #tpu.memory_space<hbm>>
    tpu.wait_indirect_dma semaphore(%arg11 : memref<!tpu.dma_semaphore, #tpu.memory_space<semaphore_mem>>) src(%dma_wait3A_19 : memref<10240x128xf32, #tpu.memory_space<hbm>>) dst(%arg9 : memref<128x128xf32, #tpu.memory_space<vmem>>)
    %run_scoped3A = arith.constant 83 : i32
    "tpu.region"() ({
      %run_scoped3A_25 = tpu.sem_alloc : memref<!tpu.dma_semaphore, #tpu.memory_space<semaphore_mem>>
      %dma_start3A_26 = arith.constant 0 : i32
      %dma_start3A_27 = tpu.memref_slice %arg8[%run_scoped3A, %dma_start3A_26] : memref<84x128xi32, #tpu.memory_space<vmem>> -> memref<1x128xi32, #tpu.memory_space<vmem>>
      %dma_start3A_28 = tpu.memref_squeeze %dma_start3A_27 : memref<1x128xi32, #tpu.memory_space<vmem>> -> memref<128xi32, #tpu.memory_space<vmem>>
      %dma_start3A_29 = arith.constant 0 : i32
      %dma_start3A_30 = arith.constant 0 : i32
      %dma_start3A_31 = tpu.memref_slice %arg10[%dma_start3A_29, %dma_start3A_30] : memref<10240x128xf32, #tpu.memory_space<vmem_shared>> -> memref<10240x128xf32, #tpu.memory_space<vmem_shared>>
      tpu.enqueue_indirect_dma source(%arg9 : memref<128x128xf32, #tpu.memory_space<vmem>>) target(%dma_start3A_31 : memref<10240x128xf32, #tpu.memory_space<vmem_shared>>) offsets(%dma_start3A_28 : memref<128xi32, #tpu.memory_space<vmem>>) semaphore(%run_scoped3A_25 : memref<!tpu.dma_semaphore, #tpu.memory_space<semaphore_mem>>) {add = true}
      %dma_wait3A_32 = arith.constant 0 : i32
      %dma_wait3A_33 = tpu.memref_slice %arg8[%run_scoped3A, %dma_wait3A_32] : memref<84x128xi32, #tpu.memory_space<vmem>> -> memref<1x128xi32, #tpu.memory_space<vmem>>
      %dma_wait3A_34 = tpu.memref_squeeze %dma_wait3A_33 : memref<1x128xi32, #tpu.memory_space<vmem>> -> memref<128xi32, #tpu.memory_space<vmem>>
      %dma_wait3A_35 = arith.constant 0 : i32
      %dma_wait3A_36 = arith.constant 0 : i32
      %dma_wait3A_37 = tpu.memref_slice %arg10[%dma_wait3A_35, %dma_wait3A_36] : memref<10240x128xf32, #tpu.memory_space<vmem_shared>> -> memref<10240x128xf32, #tpu.memory_space<vmem_shared>>
      tpu.wait_indirect_dma semaphore(%run_scoped3A_25 : memref<!tpu.dma_semaphore, #tpu.memory_space<semaphore_mem>>) src(%arg9 : memref<128x128xf32, #tpu.memory_space<vmem>>) dst(%dma_wait3A_37 : memref<10240x128xf32, #tpu.memory_space<vmem_shared>>)
      tpu.yield
    }) : () -> ()
    %barrier3A_20 = arith.constant 0 : index
    tpu.barrier barrier_id(%barrier3A_20)
    %mul3A_21 = arith.constant 640 : i32
    %mul3A_22 = arith.muli %arg1, %mul3A_21 : i32
    %mul3A_23 = arith.constant 640 : i32
    %mul3A_24 = arith.muli %arg1, %mul3A_23 : i32
    "tpu.region"() ({
      %run_scoped3A_25 = tpu.sem_alloc : memref<!tpu.dma_semaphore, #tpu.memory_space<semaphore_mem>>
      %dma_start3A_26 = arith.constant 0 : i32
      %dma_start3A_27 = tpu.memref_slice %arg6[%arg0, %mul3A_24, %dma_start3A_26] : memref<2x10240x128xf32, #tpu.memory_space<hbm>> -> memref<1x640x128xf32, #tpu.memory_space<hbm>>
      %dma_start3A_28 = tpu.memref_squeeze %dma_start3A_27 : memref<1x640x128xf32, #tpu.memory_space<hbm>> -> memref<640x128xf32, #tpu.memory_space<hbm>>
      %dma_start3A_29 = arith.constant 0 : i32
      %dma_start3A_30 = tpu.memref_slice %arg10[%mul3A_22, %dma_start3A_29] : memref<10240x128xf32, #tpu.memory_space<vmem_shared>> -> memref<640x128xf32, #tpu.memory_space<vmem_shared>>
      tpu.enqueue_dma source(%dma_start3A_30 : memref<640x128xf32, #tpu.memory_space<vmem_shared>>) target(%dma_start3A_28 : memref<640x128xf32, #tpu.memory_space<hbm>>) target_semaphore(%run_scoped3A_25 : memref<!tpu.dma_semaphore, #tpu.memory_space<semaphore_mem>>)
      %dma_wait3A_31 = arith.constant 0 : i32
      %dma_wait3A_32 = tpu.memref_slice %arg6[%arg0, %mul3A_24, %dma_wait3A_31] : memref<2x10240x128xf32, #tpu.memory_space<hbm>> -> memref<1x640x128xf32, #tpu.memory_space<hbm>>
      %dma_wait3A_33 = tpu.memref_squeeze %dma_wait3A_32 : memref<1x640x128xf32, #tpu.memory_space<hbm>> -> memref<640x128xf32, #tpu.memory_space<hbm>>
      %dma_wait3A_34 = arith.constant 0 : i32
      %dma_wait3A_35 = tpu.memref_slice %arg10[%mul3A_22, %dma_wait3A_34] : memref<10240x128xf32, #tpu.memory_space<vmem_shared>> -> memref<640x128xf32, #tpu.memory_space<vmem_shared>>
      tpu.wait_dma2 semaphore(%run_scoped3A_25 : memref<!tpu.dma_semaphore, #tpu.memory_space<semaphore_mem>>) src(%dma_wait3A_35 : memref<640x128xf32, #tpu.memory_space<vmem_shared>>) dst(%dma_wait3A_33 : memref<640x128xf32, #tpu.memory_space<hbm>>)
      tpu.yield
    }) : () -> ()
    return
  }
}

#map = affine_map<(d0, d1) -> (0, 0)>
#map1 = affine_map<(d0, d1) -> (0, 0, 0)>
module attributes {stable_mosaic.version = 14 : i64} {
  func.func @_sc_gather_scatter(%arg0: i32, %arg1: i32, %arg2: memref<10240x128xf32, #tpu.memory_space<hbm>>, %arg3: memref<32x84x128xi32, #tpu.memory_space<hbm>>, %arg4: memref<32x84x128xi32, #tpu.memory_space<hbm>>, %arg5: memref<640x128xf32, #tpu.memory_space<hbm>>, %arg6: memref<2x10240x128xf32, #tpu.memory_space<hbm>>, %arg7: memref<84x128xi32, #tpu.memory_space<vmem>>, %arg8: memref<84x128xi32, #tpu.memory_space<vmem>>, %arg9: memref<128x128xf32, #tpu.memory_space<vmem>>, %arg10: memref<10240x128xf32, #tpu.memory_space<vmem_shared>>, %arg11: memref<!tpu.dma_semaphore, #tpu.memory_space<semaphore_mem>>) attributes {dimension_semantics = [#tpu.dimension_semantics<core_parallel>, #tpu.dimension_semantics<subcore_parallel>], iteration_bounds = array<i64: 2, 16>, scalar_prefetch = 0 : i64, scratch_operands = 5 : i64, tpu.core_type = #tpu.core_type<sc_vector_subcore>, window_params = [{transform_indices = #map}, {transform_indices = #map1}, {transform_indices = #map1}, {transform_indices = #map}, {transform_indices = #map1}]} {
    %mul3A = arith.constant 16 : i32
    %mul3A_0 = arith.muli %arg0, %mul3A : i32
    %add3A = arith.addi %mul3A_0, %arg1 : i32
    %mul3A_1 = arith.constant 640 : i32
    %mul3A_2 = arith.muli %arg1, %mul3A_1 : i32
    "tpu.region"() ({
      %run_scoped3A_25 = tpu.sem_alloc : memref<!tpu.dma_semaphore, #tpu.memory_space<semaphore_mem>>
      %dma_start3A_26 = arith.constant 0 : i32
      %dma_start3A_27 = tpu.memref_slice %arg10[%mul3A_2, %dma_start3A_26] : memref<10240x128xf32, #tpu.memory_space<vmem_shared>> -> memref<640x128xf32, #tpu.memory_space<vmem_shared>>
      tpu.enqueue_dma source(%arg5 : memref<640x128xf32, #tpu.memory_space<hbm>>) target(%dma_start3A_27 : memref<640x128xf32, #tpu.memory_space<vmem_shared>>) target_semaphore(%run_scoped3A_25 : memref<!tpu.dma_semaphore, #tpu.memory_space<semaphore_mem>>)
      %dma_wait3A_28 = arith.constant 0 : i32
      %dma_wait3A_29 = tpu.memref_slice %arg10[%mul3A_2, %dma_wait3A_28] : memref<10240x128xf32, #tpu.memory_space<vmem_shared>> -> memref<640x128xf32, #tpu.memory_space<vmem_shared>>
      tpu.wait_dma2 semaphore(%run_scoped3A_25 : memref<!tpu.dma_semaphore, #tpu.memory_space<semaphore_mem>>) src(%arg5 : memref<640x128xf32, #tpu.memory_space<hbm>>) dst(%dma_wait3A_29 : memref<640x128xf32, #tpu.memory_space<vmem_shared>>)
      tpu.yield
    }) : () -> ()
    "tpu.region"() ({
      %run_scoped3A_25 = tpu.sem_alloc : memref<!tpu.dma_semaphore, #tpu.memory_space<semaphore_mem>>
      %dma_start3A_26 = arith.constant 0 : i32
      %dma_start3A_27 = arith.constant 0 : i32
      %dma_start3A_28 = tpu.memref_slice %arg3[%add3A, %dma_start3A_26, %dma_start3A_27] : memref<32x84x128xi32, #tpu.memory_space<hbm>> -> memref<1x84x128xi32, #tpu.memory_space<hbm>>
      %dma_start3A_29 = tpu.memref_squeeze %dma_start3A_28 : memref<1x84x128xi32, #tpu.memory_space<hbm>> -> memref<84x128xi32, #tpu.memory_space<hbm>>
      %dma_start3A_30 = arith.constant 0 : i32
      %dma_start3A_31 = arith.constant 0 : i32
      %dma_start3A_32 = tpu.memref_slice %arg3[%add3A, %dma_start3A_30, %dma_start3A_31] : memref<32x84x128xi32, #tpu.memory_space<hbm>> -> memref<1x84x128xi32, #tpu.memory_space<hbm>>
      %dma_start3A_33 = tpu.memref_squeeze %dma_start3A_32 : memref<1x84x128xi32, #tpu.memory_space<hbm>> -> memref<84x128xi32, #tpu.memory_space<hbm>>
      tpu.enqueue_dma source(%dma_start3A_33 : memref<84x128xi32, #tpu.memory_space<hbm>>) target(%arg7 : memref<84x128xi32, #tpu.memory_space<vmem>>) target_semaphore(%run_scoped3A_25 : memref<!tpu.dma_semaphore, #tpu.memory_space<semaphore_mem>>)
      %dma_wait3A_34 = arith.constant 0 : i32
      %dma_wait3A_35 = arith.constant 0 : i32
      %dma_wait3A_36 = tpu.memref_slice %arg3[%add3A, %dma_wait3A_34, %dma_wait3A_35] : memref<32x84x128xi32, #tpu.memory_space<hbm>> -> memref<1x84x128xi32, #tpu.memory_space<hbm>>
      %dma_wait3A_37 = tpu.memref_squeeze %dma_wait3A_36 : memref<1x84x128xi32, #tpu.memory_space<hbm>> -> memref<84x128xi32, #tpu.memory_space<hbm>>
      %dma_wait3A_38 = arith.constant 0 : i32
      %dma_wait3A_39 = arith.constant 0 : i32
      %dma_wait3A_40 = tpu.memref_slice %arg3[%add3A, %dma_wait3A_38, %dma_wait3A_39] : memref<32x84x128xi32, #tpu.memory_space<hbm>> -> memref<1x84x128xi32, #tpu.memory_space<hbm>>
      %dma_wait3A_41 = tpu.memref_squeeze %dma_wait3A_40 : memref<1x84x128xi32, #tpu.memory_space<hbm>> -> memref<84x128xi32, #tpu.memory_space<hbm>>
      tpu.wait_dma2 semaphore(%run_scoped3A_25 : memref<!tpu.dma_semaphore, #tpu.memory_space<semaphore_mem>>) src(%dma_wait3A_41 : memref<84x128xi32, #tpu.memory_space<hbm>>) dst(%arg7 : memref<84x128xi32, #tpu.memory_space<vmem>>)
      tpu.yield
    }) : () -> ()
    "tpu.region"() ({
      %run_scoped3A_25 = tpu.sem_alloc : memref<!tpu.dma_semaphore, #tpu.memory_space<semaphore_mem>>
      %dma_start3A_26 = arith.constant 0 : i32
      %dma_start3A_27 = arith.constant 0 : i32
      %dma_start3A_28 = tpu.memref_slice %arg4[%add3A, %dma_start3A_26, %dma_start3A_27] : memref<32x84x128xi32, #tpu.memory_space<hbm>> -> memref<1x84x128xi32, #tpu.memory_space<hbm>>
      %dma_start3A_29 = tpu.memref_squeeze %dma_start3A_28 : memref<1x84x128xi32, #tpu.memory_space<hbm>> -> memref<84x128xi32, #tpu.memory_space<hbm>>
      %dma_start3A_30 = arith.constant 0 : i32
      %dma_start3A_31 = arith.constant 0 : i32
      %dma_start3A_32 = tpu.memref_slice %arg4[%add3A, %dma_start3A_30, %dma_start3A_31] : memref<32x84x128xi32, #tpu.memory_space<hbm>> -> memref<1x84x128xi32, #tpu.memory_space<hbm>>
      %dma_start3A_33 = tpu.memref_squeeze %dma_start3A_32 : memref<1x84x128xi32, #tpu.memory_space<hbm>> -> memref<84x128xi32, #tpu.memory_space<hbm>>
      tpu.enqueue_dma source(%dma_start3A_33 : memref<84x128xi32, #tpu.memory_space<hbm>>) target(%arg8 : memref<84x128xi32, #tpu.memory_space<vmem>>) target_semaphore(%run_scoped3A_25 : memref<!tpu.dma_semaphore, #tpu.memory_space<semaphore_mem>>)
      %dma_wait3A_34 = arith.constant 0 : i32
      %dma_wait3A_35 = arith.constant 0 : i32
      %dma_wait3A_36 = tpu.memref_slice %arg4[%add3A, %dma_wait3A_34, %dma_wait3A_35] : memref<32x84x128xi32, #tpu.memory_space<hbm>> -> memref<1x84x128xi32, #tpu.memory_space<hbm>>
      %dma_wait3A_37 = tpu.memref_squeeze %dma_wait3A_36 : memref<1x84x128xi32, #tpu.memory_space<hbm>> -> memref<84x128xi32, #tpu.memory_space<hbm>>
      %dma_wait3A_38 = arith.constant 0 : i32
      %dma_wait3A_39 = arith.constant 0 : i32
      %dma_wait3A_40 = tpu.memref_slice %arg4[%add3A, %dma_wait3A_38, %dma_wait3A_39] : memref<32x84x128xi32, #tpu.memory_space<hbm>> -> memref<1x84x128xi32, #tpu.memory_space<hbm>>
      %dma_wait3A_41 = tpu.memref_squeeze %dma_wait3A_40 : memref<1x84x128xi32, #tpu.memory_space<hbm>> -> memref<84x128xi32, #tpu.memory_space<hbm>>
      tpu.wait_dma2 semaphore(%run_scoped3A_25 : memref<!tpu.dma_semaphore, #tpu.memory_space<semaphore_mem>>) src(%dma_wait3A_41 : memref<84x128xi32, #tpu.memory_space<hbm>>) dst(%arg8 : memref<84x128xi32, #tpu.memory_space<vmem>>)
      tpu.yield
    }) : () -> ()
    %barrier3A = arith.constant 0 : index
    tpu.barrier barrier_id(%barrier3A)
    %dma_start3A = arith.constant 0 : i32
    %dma_start3A_3 = arith.constant 0 : i32
    %dma_start3A_4 = tpu.memref_slice %arg7[%dma_start3A, %dma_start3A_3] : memref<84x128xi32, #tpu.memory_space<vmem>> -> memref<1x128xi32, #tpu.memory_space<vmem>>
    %dma_start3A_5 = tpu.memref_squeeze %dma_start3A_4 : memref<1x128xi32, #tpu.memory_space<vmem>> -> memref<128xi32, #tpu.memory_space<vmem>>
    %dma_start3A_6 = arith.constant 0 : i32
    %dma_start3A_7 = arith.constant 0 : i32
    %dma_start3A_8 = tpu.memref_slice %arg2[%dma_start3A_6, %dma_start3A_7] : memref<10240x128xf32, #tpu.memory_space<hbm>> -> memref<10240x128xf32, #tpu.memory_space<hbm>>
    tpu.enqueue_indirect_dma source(%dma_start3A_8 : memref<10240x128xf32, #tpu.memory_space<hbm>>) target(%arg9 : memref<128x128xf32, #tpu.memory_space<vmem>>) offsets(%dma_start3A_5 : memref<128xi32, #tpu.memory_space<vmem>>) semaphore(%arg11 : memref<!tpu.dma_semaphore, #tpu.memory_space<semaphore_mem>>)
    %scan3A = arith.constant 0 : i32
    %scan3A_9 = arith.constant 0 : i32
    %scan3A_10 = arith.constant 83 : i32
    %scan3A_11 = arith.addi %scan3A_9, %scan3A_10 : i32
    %scan3A_12 = arith.constant 1 : i32
    scf.for %scan3A_25 = %scan3A_9 to %scan3A_11 step %scan3A_12  : i32 {
      %dma_wait3A_26 = arith.constant 0 : i32
      %dma_wait3A_27 = tpu.memref_slice %arg7[%scan3A_25, %dma_wait3A_26] : memref<84x128xi32, #tpu.memory_space<vmem>> -> memref<1x128xi32, #tpu.memory_space<vmem>>
      %dma_wait3A_28 = tpu.memref_squeeze %dma_wait3A_27 : memref<1x128xi32, #tpu.memory_space<vmem>> -> memref<128xi32, #tpu.memory_space<vmem>>
      %dma_wait3A_29 = arith.constant 0 : i32
      %dma_wait3A_30 = arith.constant 0 : i32
      %dma_wait3A_31 = tpu.memref_slice %arg2[%dma_wait3A_29, %dma_wait3A_30] : memref<10240x128xf32, #tpu.memory_space<hbm>> -> memref<10240x128xf32, #tpu.memory_space<hbm>>
      tpu.wait_indirect_dma semaphore(%arg11 : memref<!tpu.dma_semaphore, #tpu.memory_space<semaphore_mem>>) src(%dma_wait3A_31 : memref<10240x128xf32, #tpu.memory_space<hbm>>) dst(%arg9 : memref<128x128xf32, #tpu.memory_space<vmem>>)
      "tpu.region"() ({
        %run_scoped3A_40 = tpu.sem_alloc : memref<!tpu.dma_semaphore, #tpu.memory_space<semaphore_mem>>
        %dma_start3A_41 = arith.constant 0 : i32
        %dma_start3A_42 = tpu.memref_slice %arg8[%scan3A_25, %dma_start3A_41] : memref<84x128xi32, #tpu.memory_space<vmem>> -> memref<1x128xi32, #tpu.memory_space<vmem>>
        %dma_start3A_43 = tpu.memref_squeeze %dma_start3A_42 : memref<1x128xi32, #tpu.memory_space<vmem>> -> memref<128xi32, #tpu.memory_space<vmem>>
        %dma_start3A_44 = arith.constant 0 : i32
        %dma_start3A_45 = arith.constant 0 : i32
        %dma_start3A_46 = tpu.memref_slice %arg10[%dma_start3A_44, %dma_start3A_45] : memref<10240x128xf32, #tpu.memory_space<vmem_shared>> -> memref<10240x128xf32, #tpu.memory_space<vmem_shared>>
        tpu.enqueue_indirect_dma source(%arg9 : memref<128x128xf32, #tpu.memory_space<vmem>>) target(%dma_start3A_46 : memref<10240x128xf32, #tpu.memory_space<vmem_shared>>) offsets(%dma_start3A_43 : memref<128xi32, #tpu.memory_space<vmem>>) semaphore(%run_scoped3A_40 : memref<!tpu.dma_semaphore, #tpu.memory_space<semaphore_mem>>) {add = true}
        %dma_wait3A_47 = arith.constant 0 : i32
        %dma_wait3A_48 = tpu.memref_slice %arg8[%scan3A_25, %dma_wait3A_47] : memref<84x128xi32, #tpu.memory_space<vmem>> -> memref<1x128xi32, #tpu.memory_space<vmem>>
        %dma_wait3A_49 = tpu.memref_squeeze %dma_wait3A_48 : memref<1x128xi32, #tpu.memory_space<vmem>> -> memref<128xi32, #tpu.memory_space<vmem>>
        %dma_wait3A_50 = arith.constant 0 : i32
        %dma_wait3A_51 = arith.constant 0 : i32
        %dma_wait3A_52 = tpu.memref_slice %arg10[%dma_wait3A_50, %dma_wait3A_51] : memref<10240x128xf32, #tpu.memory_space<vmem_shared>> -> memref<10240x128xf32, #tpu.memory_space<vmem_shared>>
        tpu.wait_indirect_dma semaphore(%run_scoped3A_40 : memref<!tpu.dma_semaphore, #tpu.memory_space<semaphore_mem>>) src(%arg9 : memref<128x128xf32, #tpu.memory_space<vmem>>) dst(%dma_wait3A_52 : memref<10240x128xf32, #tpu.memory_space<vmem_shared>>)
        tpu.yield
      }) : () -> ()
      %add3A_32 = arith.constant 1 : i32
      %add3A_33 = arith.addi %scan3A_25, %add3A_32 : i32
      %dma_start3A_34 = arith.constant 0 : i32
      %dma_start3A_35 = tpu.memref_slice %arg7[%add3A_33, %dma_start3A_34] : memref<84x128xi32, #tpu.memory_space<vmem>> -> memref<1x128xi32, #tpu.memory_space<vmem>>
      %dma_start3A_36 = tpu.memref_squeeze %dma_start3A_35 : memref<1x128xi32, #tpu.memory_space<vmem>> -> memref<128xi32, #tpu.memory_space<vmem>>
      %dma_start3A_37 = arith.constant 0 : i32
      %dma_start3A_38 = arith.constant 0 : i32
      %dma_start3A_39 = tpu.memref_slice %arg2[%dma_start3A_37, %dma_start3A_38] : memref<10240x128xf32, #tpu.memory_space<hbm>> -> memref<10240x128xf32, #tpu.memory_space<hbm>>
      tpu.enqueue_indirect_dma source(%dma_start3A_39 : memref<10240x128xf32, #tpu.memory_space<hbm>>) target(%arg9 : memref<128x128xf32, #tpu.memory_space<vmem>>) offsets(%dma_start3A_36 : memref<128xi32, #tpu.memory_space<vmem>>) semaphore(%arg11 : memref<!tpu.dma_semaphore, #tpu.memory_space<semaphore_mem>>)
    }
    %scan3A_13 = arith.constant 83 : i32
    %dma_wait3A = arith.constant 83 : i32
    %dma_wait3A_14 = arith.constant 0 : i32
    %dma_wait3A_15 = tpu.memref_slice %arg7[%dma_wait3A, %dma_wait3A_14] : memref<84x128xi32, #tpu.memory_space<vmem>> -> memref<1x128xi32, #tpu.memory_space<vmem>>
    %dma_wait3A_16 = tpu.memref_squeeze %dma_wait3A_15 : memref<1x128xi32, #tpu.memory_space<vmem>> -> memref<128xi32, #tpu.memory_space<vmem>>
    %dma_wait3A_17 = arith.constant 0 : i32
    %dma_wait3A_18 = arith.constant 0 : i32
    %dma_wait3A_19 = tpu.memref_slice %arg2[%dma_wait3A_17, %dma_wait3A_18] : memref<10240x128xf32, #tpu.memory_space<hbm>> -> memref<10240x128xf32, #tpu.memory_space<hbm>>
    tpu.wait_indirect_dma semaphore(%arg11 : memref<!tpu.dma_semaphore, #tpu.memory_space<semaphore_mem>>) src(%dma_wait3A_19 : memref<10240x128xf32, #tpu.memory_space<hbm>>) dst(%arg9 : memref<128x128xf32, #tpu.memory_space<vmem>>)
    %run_scoped3A = arith.constant 83 : i32
    "tpu.region"() ({
      %run_scoped3A_25 = tpu.sem_alloc : memref<!tpu.dma_semaphore, #tpu.memory_space<semaphore_mem>>
      %dma_start3A_26 = arith.constant 0 : i32
      %dma_start3A_27 = tpu.memref_slice %arg8[%run_scoped3A, %dma_start3A_26] : memref<84x128xi32, #tpu.memory_space<vmem>> -> memref<1x128xi32, #tpu.memory_space<vmem>>
      %dma_start3A_28 = tpu.memref_squeeze %dma_start3A_27 : memref<1x128xi32, #tpu.memory_space<vmem>> -> memref<128xi32, #tpu.memory_space<vmem>>
      %dma_start3A_29 = arith.constant 0 : i32
      %dma_start3A_30 = arith.constant 0 : i32
      %dma_start3A_31 = tpu.memref_slice %arg10[%dma_start3A_29, %dma_start3A_30] : memref<10240x128xf32, #tpu.memory_space<vmem_shared>> -> memref<10240x128xf32, #tpu.memory_space<vmem_shared>>
      tpu.enqueue_indirect_dma source(%arg9 : memref<128x128xf32, #tpu.memory_space<vmem>>) target(%dma_start3A_31 : memref<10240x128xf32, #tpu.memory_space<vmem_shared>>) offsets(%dma_start3A_28 : memref<128xi32, #tpu.memory_space<vmem>>) semaphore(%run_scoped3A_25 : memref<!tpu.dma_semaphore, #tpu.memory_space<semaphore_mem>>) {add = true}
      %dma_wait3A_32 = arith.constant 0 : i32
      %dma_wait3A_33 = tpu.memref_slice %arg8[%run_scoped3A, %dma_wait3A_32] : memref<84x128xi32, #tpu.memory_space<vmem>> -> memref<1x128xi32, #tpu.memory_space<vmem>>
      %dma_wait3A_34 = tpu.memref_squeeze %dma_wait3A_33 : memref<1x128xi32, #tpu.memory_space<vmem>> -> memref<128xi32, #tpu.memory_space<vmem>>
      %dma_wait3A_35 = arith.constant 0 : i32
      %dma_wait3A_36 = arith.constant 0 : i32
      %dma_wait3A_37 = tpu.memref_slice %arg10[%dma_wait3A_35, %dma_wait3A_36] : memref<10240x128xf32, #tpu.memory_space<vmem_shared>> -> memref<10240x128xf32, #tpu.memory_space<vmem_shared>>
      tpu.wait_indirect_dma semaphore(%run_scoped3A_25 : memref<!tpu.dma_semaphore, #tpu.memory_space<semaphore_mem>>) src(%arg9 : memref<128x128xf32, #tpu.memory_space<vmem>>) dst(%dma_wait3A_37 : memref<10240x128xf32, #tpu.memory_space<vmem_shared>>)
      tpu.yield
    }) : () -> ()
    %barrier3A_20 = arith.constant 0 : index
    tpu.barrier barrier_id(%barrier3A_20)
    %mul3A_21 = arith.constant 640 : i32
    %mul3A_22 = arith.muli %arg1, %mul3A_21 : i32
    %mul3A_23 = arith.constant 640 : i32
    %mul3A_24 = arith.muli %arg1, %mul3A_23 : i32
    "tpu.region"() ({
      %run_scoped3A_25 = tpu.sem_alloc : memref<!tpu.dma_semaphore, #tpu.memory_space<semaphore_mem>>
      %dma_start3A_26 = arith.constant 0 : i32
      %dma_start3A_27 = tpu.memref_slice %arg6[%arg0, %mul3A_24, %dma_start3A_26] : memref<2x10240x128xf32, #tpu.memory_space<hbm>> -> memref<1x640x128xf32, #tpu.memory_space<hbm>>
      %dma_start3A_28 = tpu.memref_squeeze %dma_start3A_27 : memref<1x640x128xf32, #tpu.memory_space<hbm>> -> memref<640x128xf32, #tpu.memory_space<hbm>>
      %dma_start3A_29 = arith.constant 0 : i32
      %dma_start3A_30 = tpu.memref_slice %arg10[%mul3A_22, %dma_start3A_29] : memref<10240x128xf32, #tpu.memory_space<vmem_shared>> -> memref<640x128xf32, #tpu.memory_space<vmem_shared>>
      tpu.enqueue_dma source(%dma_start3A_30 : memref<640x128xf32, #tpu.memory_space<vmem_shared>>) target(%dma_start3A_28 : memref<640x128xf32, #tpu.memory_space<hbm>>) target_semaphore(%run_scoped3A_25 : memref<!tpu.dma_semaphore, #tpu.memory_space<semaphore_mem>>)
      %dma_wait3A_31 = arith.constant 0 : i32
      %dma_wait3A_32 = tpu.memref_slice %arg6[%arg0, %mul3A_24, %dma_wait3A_31] : memref<2x10240x128xf32, #tpu.memory_space<hbm>> -> memref<1x640x128xf32, #tpu.memory_space<hbm>>
      %dma_wait3A_33 = tpu.memref_squeeze %dma_wait3A_32 : memref<1x640x128xf32, #tpu.memory_space<hbm>> -> memref<640x128xf32, #tpu.memory_space<hbm>>
      %dma_wait3A_34 = arith.constant 0 : i32
      %dma_wait3A_35 = tpu.memref_slice %arg10[%mul3A_22, %dma_wait3A_34] : memref<10240x128xf32, #tpu.memory_space<vmem_shared>> -> memref<640x128xf32, #tpu.memory_space<vmem_shared>>
      tpu.wait_dma2 semaphore(%run_scoped3A_25 : memref<!tpu.dma_semaphore, #tpu.memory_space<semaphore_mem>>) src(%dma_wait3A_35 : memref<640x128xf32, #tpu.memory_space<vmem_shared>>) dst(%dma_wait3A_33 : memref<640x128xf32, #tpu.memory_space<hbm>>)
      tpu.yield
    }) : () -> ()
    return
  }
}

module attributes {stable_mosaic.version = 14 : i64} {
  func.func @_tc_mid(%arg0: memref<2x10240x128xf32, #tpu.memory_space<vmem>>, %arg1: memref<10240x1xf32, #tpu.memory_space<vmem>>, %arg2: memref<1x128xf32, #tpu.memory_space<vmem>>, %arg3: memref<1x128xf32, #tpu.memory_space<vmem>>, %arg4: memref<1x128xf32, #tpu.memory_space<vmem>>, %arg5: memref<128x128xf32, #tpu.memory_space<vmem>>, %arg6: memref<10240x128xf32, #tpu.memory_space<vmem>>) attributes {dimension_semantics = [], scalar_prefetch = 0 : i64, scratch_operands = 0 : i64, tpu.core_type = #tpu.core_type<tc>} {
    %get3A = arith.constant 0 : index
    %get3A_0 = arith.constant 0 : index
    %get3A_1 = vector.load %arg1[%get3A, %get3A_0] : memref<10240x1xf32, #tpu.memory_space<vmem>>, vector<10240x1xf32>
    %get3A_2 = arith.constant 0 : index
    %get3A_3 = arith.constant 0 : index
    %get3A_4 = arith.constant 0 : index
    %get3A_5 = vector.load %arg0[%get3A_2, %get3A_3, %get3A_4] : memref<2x10240x128xf32, #tpu.memory_space<vmem>>, vector<1x10240x128xf32>
    %get3A_6 = vector.shape_cast %get3A_5 : vector<1x10240x128xf32> to vector<10240x128xf32>
    %get3A_7 = arith.constant 1 : index
    %get3A_8 = arith.constant 0 : index
    %get3A_9 = arith.constant 0 : index
    %get3A_10 = vector.load %arg0[%get3A_7, %get3A_8, %get3A_9] : memref<2x10240x128xf32, #tpu.memory_space<vmem>>, vector<1x10240x128xf32>
    %get3A_11 = vector.shape_cast %get3A_10 : vector<1x10240x128xf32> to vector<10240x128xf32>
    %get3A_12 = arith.constant 0 : index
    %get3A_13 = arith.constant 0 : index
    %get3A_14 = vector.load %arg2[%get3A_12, %get3A_13] : memref<1x128xf32, #tpu.memory_space<vmem>>, vector<1x128xf32>
    %get3A_15 = arith.constant 0 : index
    %get3A_16 = arith.constant 0 : index
    %get3A_17 = vector.load %arg3[%get3A_15, %get3A_16] : memref<1x128xf32, #tpu.memory_space<vmem>>, vector<1x128xf32>
    %get3A_18 = arith.constant 0 : index
    %get3A_19 = arith.constant 0 : index
    %get3A_20 = vector.load %arg4[%get3A_18, %get3A_19] : memref<1x128xf32, #tpu.memory_space<vmem>>, vector<1x128xf32>
    %add3A = arith.addf %get3A_6, %get3A_11 : vector<10240x128xf32>
    %mul3A = vector.broadcast %get3A_1 : vector<10240x1xf32> to vector<10240x128xf32>
    %mul3A_21 = arith.mulf %add3A, %mul3A : vector<10240x128xf32>
    %add3A_22 = vector.broadcast %get3A_14 : vector<1x128xf32> to vector<10240x128xf32>
    %add3A_23 = arith.addf %mul3A_21, %add3A_22 : vector<10240x128xf32>
    %iota3A = tpu.iota {dimensions = array<i32: 0>} : vector<10240x1xi32>
    %lt3A = arith.constant 10000 : i32
    %lt3A_24 = vector.broadcast %lt3A : i32 to vector<10240x1xi32>
    %lt3A_25 = arith.cmpi slt, %iota3A, %lt3A_24 : vector<10240x1xi32>
    %jit3A = arith.constant 0.000000e+00 : f32
    %broadcast_in_dim3A = vector.shape_cast %lt3A_25 : vector<10240x1xi1> to vector<10240x1xi1>
    %broadcast_in_dim3A_26 = vector.broadcast %broadcast_in_dim3A : vector<10240x1xi1> to vector<10240x128xi1>
    %broadcast_in_dim3A_27 = vector.broadcast %jit3A : f32 to vector<10240x128xf32>
    %select_n3A = arith.select %broadcast_in_dim3A_26, %add3A_23, %broadcast_in_dim3A_27 : vector<10240x128xi1>, vector<10240x128xf32>
    %reduce_sum3A = arith.constant dense<0.000000e+00> : vector<128xf32>
    %reduce_sum3A_28 = vector.multi_reduction <add>, %select_n3A, %reduce_sum3A [0] : vector<10240x128xf32> to vector<128xf32>
    %broadcast_in_dim3A_29 = vector.shape_cast %reduce_sum3A_28 : vector<128xf32> to vector<1x128xf32>
    %mul3A_30 = arith.constant 9.99999974E-5 : f32
    %mul3A_31 = vector.broadcast %mul3A_30 : f32 to vector<1x128xf32>
    %mul3A_32 = arith.mulf %broadcast_in_dim3A_29, %mul3A_31 : vector<1x128xf32>
    %sub3A = vector.broadcast %mul3A_32 : vector<1x128xf32> to vector<10240x128xf32>
    %sub3A_33 = arith.subf %add3A_23, %sub3A : vector<10240x128xf32>
    %jit3A_34 = arith.constant 0.000000e+00 : f32
    %broadcast_in_dim3A_35 = vector.shape_cast %lt3A_25 : vector<10240x1xi1> to vector<10240x1xi1>
    %broadcast_in_dim3A_36 = vector.broadcast %broadcast_in_dim3A_35 : vector<10240x1xi1> to vector<10240x128xi1>
    %broadcast_in_dim3A_37 = vector.broadcast %jit3A_34 : f32 to vector<10240x128xf32>
    %select_n3A_38 = arith.select %broadcast_in_dim3A_36, %sub3A_33, %broadcast_in_dim3A_37 : vector<10240x128xi1>, vector<10240x128xf32>
    %mul3A_39 = arith.mulf %select_n3A_38, %select_n3A_38 : vector<10240x128xf32>
    %reduce_sum3A_40 = arith.constant dense<0.000000e+00> : vector<128xf32>
    %reduce_sum3A_41 = vector.multi_reduction <add>, %mul3A_39, %reduce_sum3A_40 [0] : vector<10240x128xf32> to vector<128xf32>
    %broadcast_in_dim3A_42 = vector.shape_cast %reduce_sum3A_41 : vector<128xf32> to vector<1x128xf32>
    %mul3A_43 = arith.constant 9.99999974E-5 : f32
    %mul3A_44 = vector.broadcast %mul3A_43 : f32 to vector<1x128xf32>
    %mul3A_45 = arith.mulf %broadcast_in_dim3A_42, %mul3A_44 : vector<1x128xf32>
    %sub3A_46 = vector.broadcast %mul3A_32 : vector<1x128xf32> to vector<10240x128xf32>
    %sub3A_47 = arith.subf %add3A_23, %sub3A_46 : vector<10240x128xf32>
    %mul3A_48 = vector.broadcast %get3A_17 : vector<1x128xf32> to vector<10240x128xf32>
    %mul3A_49 = arith.mulf %mul3A_48, %sub3A_47 : vector<10240x128xf32>
    %add3A_50 = arith.constant 9.99999974E-6 : f32
    %add3A_51 = vector.broadcast %add3A_50 : f32 to vector<1x128xf32>
    %add3A_52 = arith.addf %mul3A_45, %add3A_51 : vector<1x128xf32>
    %rsqrt3A = math.rsqrt %add3A_52 : vector<1x128xf32>
    %mul3A_53 = vector.broadcast %rsqrt3A : vector<1x128xf32> to vector<10240x128xf32>
    %mul3A_54 = arith.mulf %mul3A_49, %mul3A_53 : vector<10240x128xf32>
    %add3A_55 = vector.broadcast %get3A_20 : vector<1x128xf32> to vector<10240x128xf32>
    %add3A_56 = arith.addf %mul3A_54, %add3A_55 : vector<10240x128xf32>
    %max3A = arith.constant 0.000000e+00 : f32
    %max3A_57 = vector.broadcast %max3A : f32 to vector<10240x128xf32>
    %max3A_58 = arith.maximumf %add3A_56, %max3A_57 : vector<10240x128xf32>
    %get3A_59 = arith.constant 0 : index
    %get3A_60 = arith.constant 0 : index
    %get3A_61 = vector.load %arg5[%get3A_59, %get3A_60] : memref<128x128xf32, #tpu.memory_space<vmem>>, vector<128x128xf32>
    %dot_general3A = arith.constant dense<0.000000e+00> : vector<10240x128xf32>
    %dot_general3A_62 = tpu.matmul %max3A_58, %get3A_61, %dot_general3A {dimension_numbers = #tpu.dot_dimension_numbers<[1], [0], [0], [1], [0, 0, 1, 1], [], []>, transpose_lhs_hint = false} : vector<10240x128xf32>, vector<128x128xf32>, vector<10240x128xf32> -> vector<10240x128xf32>
    %mul3A_63 = vector.broadcast %get3A_1 : vector<10240x1xf32> to vector<10240x128xf32>
    %mul3A_64 = arith.mulf %dot_general3A_62, %mul3A_63 : vector<10240x128xf32>
    %swap3A = arith.constant 0 : index
    %swap3A_65 = arith.constant 0 : index
    %swap3A_66 = vector.load %arg6[%swap3A, %swap3A_65] : memref<10240x128xf32, #tpu.memory_space<vmem>>, vector<10240x128xf32>
    tpu.vector_store %arg6[%swap3A, %swap3A_65], %mul3A_64 {strides = array<i32>} : memref<10240x128xf32, #tpu.memory_space<vmem>>, vector<10240x128xf32>,
    return
  }
}

module attributes {stable_mosaic.version = 14 : i64} {
  func.func @_tc_prep(%arg0: memref<10240x128xf32, #tpu.memory_space<vmem>>, %arg1: memref<128x128xf32, #tpu.memory_space<vmem>>, %arg2: memref<2x10240x128xf32, #tpu.memory_space<vmem>>, %arg3: memref<10240x128xf32, #tpu.memory_space<vmem>>, %arg4: memref<10240x1xf32, #tpu.memory_space<vmem>>) attributes {dimension_semantics = [], scalar_prefetch = 0 : i64, scratch_operands = 0 : i64, tpu.core_type = #tpu.core_type<tc>} {
    %get3A = arith.constant 0 : index
    %get3A_0 = arith.constant 0 : index
    %get3A_1 = arith.constant 0 : index
    %get3A_2 = vector.load %arg2[%get3A, %get3A_0, %get3A_1] : memref<2x10240x128xf32, #tpu.memory_space<vmem>>, vector<1x10240x128xf32>
    %get3A_3 = vector.shape_cast %get3A_2 : vector<1x10240x128xf32> to vector<10240x128xf32>
    %get3A_4 = arith.constant 1 : index
    %get3A_5 = arith.constant 0 : index
    %get3A_6 = arith.constant 0 : index
    %get3A_7 = vector.load %arg2[%get3A_4, %get3A_5, %get3A_6] : memref<2x10240x128xf32, #tpu.memory_space<vmem>>, vector<1x10240x128xf32>
    %get3A_8 = vector.shape_cast %get3A_7 : vector<1x10240x128xf32> to vector<10240x128xf32>
    %add3A = arith.addf %get3A_3, %get3A_8 : vector<10240x128xf32>
    %slice3A = vector.extract_strided_slice %add3A {offsets = [0, 0], sizes = [10240, 1], strides = [1, 1]} : vector<10240x128xf32> to vector<10240x1xf32>
    %gt3A = arith.constant 0.000000e+00 : f32
    %gt3A_9 = vector.broadcast %gt3A : f32 to vector<10240x1xf32>
    %gt3A_10 = arith.cmpf ogt, %slice3A, %gt3A_9 : vector<10240x1xf32>
    %rsqrt3A = math.rsqrt %slice3A : vector<10240x1xf32>
    %jit3A = arith.constant 0.000000e+00 : f32
    %broadcast_in_dim3A = vector.broadcast %jit3A : f32 to vector<10240x1xf32>
    %select_n3A = arith.select %gt3A_10, %rsqrt3A, %broadcast_in_dim3A : vector<10240x1xi1>, vector<10240x1xf32>
    %get3A_11 = arith.constant 0 : index
    %get3A_12 = arith.constant 0 : index
    %get3A_13 = vector.load %arg0[%get3A_11, %get3A_12] : memref<10240x128xf32, #tpu.memory_space<vmem>>, vector<10240x128xf32>
    %get3A_14 = arith.constant 0 : index
    %get3A_15 = arith.constant 0 : index
    %get3A_16 = vector.load %arg1[%get3A_14, %get3A_15] : memref<128x128xf32, #tpu.memory_space<vmem>>, vector<128x128xf32>
    %dot_general3A = arith.constant dense<0.000000e+00> : vector<10240x128xf32>
    %dot_general3A_17 = tpu.matmul %get3A_13, %get3A_16, %dot_general3A {dimension_numbers = #tpu.dot_dimension_numbers<[1], [0], [0], [1], [0, 0, 1, 1], [], []>, transpose_lhs_hint = false} : vector<10240x128xf32>, vector<128x128xf32>, vector<10240x128xf32> -> vector<10240x128xf32>
    %mul3A = vector.broadcast %select_n3A : vector<10240x1xf32> to vector<10240x128xf32>
    %mul3A_18 = arith.mulf %dot_general3A_17, %mul3A : vector<10240x128xf32>
    %swap3A = arith.constant 0 : index
    %swap3A_19 = arith.constant 0 : index
    %swap3A_20 = vector.load %arg3[%swap3A, %swap3A_19] : memref<10240x128xf32, #tpu.memory_space<vmem>>, vector<10240x128xf32>
    tpu.vector_store %arg3[%swap3A, %swap3A_19], %mul3A_18 {strides = array<i32>} : memref<10240x128xf32, #tpu.memory_space<vmem>>, vector<10240x128xf32>,
    %swap3A_21 = arith.constant 0 : index
    %swap3A_22 = arith.constant 0 : index
    %swap3A_23 = vector.load %arg4[%swap3A_21, %swap3A_22] : memref<10240x1xf32, #tpu.memory_space<vmem>>, vector<10240x1xf32>
    tpu.vector_store %arg4[%swap3A_21, %swap3A_22], %select_n3A {strides = array<i32>} : memref<10240x1xf32, #tpu.memory_space<vmem>>, vector<10240x1xf32>,
    return
  }
}

module attributes {stable_mosaic.version = 14 : i64} {
  func.func @_tc_final(%arg0: memref<2x10240x128xf32, #tpu.memory_space<vmem>>, %arg1: memref<10240x1xf32, #tpu.memory_space<vmem>>, %arg2: memref<1x128xf32, #tpu.memory_space<vmem>>, %arg3: memref<1x128xf32, #tpu.memory_space<vmem>>, %arg4: memref<1x128xf32, #tpu.memory_space<vmem>>, %arg5: memref<10240xi32, #tpu.memory_space<vmem>>, %arg6: memref<128x40xf32, #tpu.memory_space<vmem>>, %arg7: memref<1x40xf32, #tpu.memory_space<vmem>>, %arg8: memref<64x40xf32, #tpu.memory_space<vmem>>) attributes {dimension_semantics = [], scalar_prefetch = 0 : i64, scratch_operands = 0 : i64, tpu.core_type = #tpu.core_type<tc>} {
    %get3A = arith.constant 0 : index
    %get3A_0 = arith.constant 0 : index
    %get3A_1 = arith.constant 0 : index
    %get3A_2 = vector.load %arg0[%get3A, %get3A_0, %get3A_1] : memref<2x10240x128xf32, #tpu.memory_space<vmem>>, vector<1x10240x128xf32>
    %get3A_3 = vector.shape_cast %get3A_2 : vector<1x10240x128xf32> to vector<10240x128xf32>
    %get3A_4 = arith.constant 1 : index
    %get3A_5 = arith.constant 0 : index
    %get3A_6 = arith.constant 0 : index
    %get3A_7 = vector.load %arg0[%get3A_4, %get3A_5, %get3A_6] : memref<2x10240x128xf32, #tpu.memory_space<vmem>>, vector<1x10240x128xf32>
    %get3A_8 = vector.shape_cast %get3A_7 : vector<1x10240x128xf32> to vector<10240x128xf32>
    %get3A_9 = arith.constant 0 : index
    %get3A_10 = arith.constant 0 : index
    %get3A_11 = vector.load %arg1[%get3A_9, %get3A_10] : memref<10240x1xf32, #tpu.memory_space<vmem>>, vector<10240x1xf32>
    %get3A_12 = arith.constant 0 : index
    %get3A_13 = arith.constant 0 : index
    %get3A_14 = vector.load %arg2[%get3A_12, %get3A_13] : memref<1x128xf32, #tpu.memory_space<vmem>>, vector<1x128xf32>
    %get3A_15 = arith.constant 0 : index
    %get3A_16 = arith.constant 0 : index
    %get3A_17 = vector.load %arg3[%get3A_15, %get3A_16] : memref<1x128xf32, #tpu.memory_space<vmem>>, vector<1x128xf32>
    %get3A_18 = arith.constant 0 : index
    %get3A_19 = arith.constant 0 : index
    %get3A_20 = vector.load %arg4[%get3A_18, %get3A_19] : memref<1x128xf32, #tpu.memory_space<vmem>>, vector<1x128xf32>
    %add3A = arith.addf %get3A_3, %get3A_8 : vector<10240x128xf32>
    %mul3A = vector.broadcast %get3A_11 : vector<10240x1xf32> to vector<10240x128xf32>
    %mul3A_21 = arith.mulf %add3A, %mul3A : vector<10240x128xf32>
    %add3A_22 = vector.broadcast %get3A_14 : vector<1x128xf32> to vector<10240x128xf32>
    %add3A_23 = arith.addf %mul3A_21, %add3A_22 : vector<10240x128xf32>
    %iota3A = tpu.iota {dimensions = array<i32: 0>} : vector<10240x1xi32>
    %lt3A = arith.constant 10000 : i32
    %lt3A_24 = vector.broadcast %lt3A : i32 to vector<10240x1xi32>
    %lt3A_25 = arith.cmpi slt, %iota3A, %lt3A_24 : vector<10240x1xi32>
    %jit3A = arith.constant 0.000000e+00 : f32
    %broadcast_in_dim3A = vector.shape_cast %lt3A_25 : vector<10240x1xi1> to vector<10240x1xi1>
    %broadcast_in_dim3A_26 = vector.broadcast %broadcast_in_dim3A : vector<10240x1xi1> to vector<10240x128xi1>
    %broadcast_in_dim3A_27 = vector.broadcast %jit3A : f32 to vector<10240x128xf32>
    %select_n3A = arith.select %broadcast_in_dim3A_26, %add3A_23, %broadcast_in_dim3A_27 : vector<10240x128xi1>, vector<10240x128xf32>
    %reduce_sum3A = arith.constant dense<0.000000e+00> : vector<128xf32>
    %reduce_sum3A_28 = vector.multi_reduction <add>, %select_n3A, %reduce_sum3A [0] : vector<10240x128xf32> to vector<128xf32>
    %broadcast_in_dim3A_29 = vector.shape_cast %reduce_sum3A_28 : vector<128xf32> to vector<1x128xf32>
    %mul3A_30 = arith.constant 9.99999974E-5 : f32
    %mul3A_31 = vector.broadcast %mul3A_30 : f32 to vector<1x128xf32>
    %mul3A_32 = arith.mulf %broadcast_in_dim3A_29, %mul3A_31 : vector<1x128xf32>
    %sub3A = vector.broadcast %mul3A_32 : vector<1x128xf32> to vector<10240x128xf32>
    %sub3A_33 = arith.subf %add3A_23, %sub3A : vector<10240x128xf32>
    %jit3A_34 = arith.constant 0.000000e+00 : f32
    %broadcast_in_dim3A_35 = vector.shape_cast %lt3A_25 : vector<10240x1xi1> to vector<10240x1xi1>
    %broadcast_in_dim3A_36 = vector.broadcast %broadcast_in_dim3A_35 : vector<10240x1xi1> to vector<10240x128xi1>
    %broadcast_in_dim3A_37 = vector.broadcast %jit3A_34 : f32 to vector<10240x128xf32>
    %select_n3A_38 = arith.select %broadcast_in_dim3A_36, %sub3A_33, %broadcast_in_dim3A_37 : vector<10240x128xi1>, vector<10240x128xf32>
    %mul3A_39 = arith.mulf %select_n3A_38, %select_n3A_38 : vector<10240x128xf32>
    %reduce_sum3A_40 = arith.constant dense<0.000000e+00> : vector<128xf32>
    %reduce_sum3A_41 = vector.multi_reduction <add>, %mul3A_39, %reduce_sum3A_40 [0] : vector<10240x128xf32> to vector<128xf32>
    %broadcast_in_dim3A_42 = vector.shape_cast %reduce_sum3A_41 : vector<128xf32> to vector<1x128xf32>
    %mul3A_43 = arith.constant 9.99999974E-5 : f32
    %mul3A_44 = vector.broadcast %mul3A_43 : f32 to vector<1x128xf32>
    %mul3A_45 = arith.mulf %broadcast_in_dim3A_42, %mul3A_44 : vector<1x128xf32>
    %sub3A_46 = vector.broadcast %mul3A_32 : vector<1x128xf32> to vector<10240x128xf32>
    %sub3A_47 = arith.subf %add3A_23, %sub3A_46 : vector<10240x128xf32>
    %mul3A_48 = vector.broadcast %get3A_17 : vector<1x128xf32> to vector<10240x128xf32>
    %mul3A_49 = arith.mulf %mul3A_48, %sub3A_47 : vector<10240x128xf32>
    %add3A_50 = arith.constant 9.99999974E-6 : f32
    %add3A_51 = vector.broadcast %add3A_50 : f32 to vector<1x128xf32>
    %add3A_52 = arith.addf %mul3A_45, %add3A_51 : vector<1x128xf32>
    %rsqrt3A = math.rsqrt %add3A_52 : vector<1x128xf32>
    %mul3A_53 = vector.broadcast %rsqrt3A : vector<1x128xf32> to vector<10240x128xf32>
    %mul3A_54 = arith.mulf %mul3A_49, %mul3A_53 : vector<10240x128xf32>
    %add3A_55 = vector.broadcast %get3A_20 : vector<1x128xf32> to vector<10240x128xf32>
    %add3A_56 = arith.addf %mul3A_54, %add3A_55 : vector<10240x128xf32>
    %max3A = arith.constant 0.000000e+00 : f32
    %max3A_57 = vector.broadcast %max3A : f32 to vector<10240x128xf32>
    %max3A_58 = arith.maximumf %add3A_56, %max3A_57 : vector<10240x128xf32>
    %iota3A_59 = tpu.iota {dimensions = array<i32: 0>} : vector<10240x1xi32>
    %lt3A_60 = arith.constant 10000 : i32
    %lt3A_61 = vector.broadcast %lt3A_60 : i32 to vector<10240x1xi32>
    %lt3A_62 = arith.cmpi slt, %iota3A_59, %lt3A_61 : vector<10240x1xi32>
    %jit3A_63 = arith.constant 0.000000e+00 : f32
    %broadcast_in_dim3A_64 = vector.shape_cast %lt3A_62 : vector<10240x1xi1> to vector<10240x1xi1>
    %broadcast_in_dim3A_65 = vector.broadcast %broadcast_in_dim3A_64 : vector<10240x1xi1> to vector<10240x128xi1>
    %broadcast_in_dim3A_66 = vector.broadcast %jit3A_63 : f32 to vector<10240x128xf32>
    %select_n3A_67 = arith.select %broadcast_in_dim3A_65, %max3A_58, %broadcast_in_dim3A_66 : vector<10240x128xi1>, vector<10240x128xf32>
    %iota3A_68 = tpu.iota {dimensions = array<i32: 1>} : vector<10240x64xi32>
    %get3A_69 = arith.constant 0 : index
    %get3A_70 = vector.load %arg5[%get3A_69] : memref<10240xi32, #tpu.memory_space<vmem>>, vector<10240xi32>
    %reshape3A = vector.shape_cast %get3A_70 : vector<10240xi32> to vector<10240x1xi32>
    %eq3A = vector.broadcast %reshape3A : vector<10240x1xi32> to vector<10240x64xi32>
    %eq3A_71 = arith.cmpi eq, %eq3A, %iota3A_68 : vector<10240x64xi32>
    %convert_element_type3A = arith.extui %eq3A_71 : vector<10240x64xi1> to vector<10240x64xi32>
    %convert_element_type3A_72 = arith.sitofp %convert_element_type3A : vector<10240x64xi32> to vector<10240x64xf32>
    %dot_general3A = arith.constant dense<0.000000e+00> : vector<64x128xf32>
    %dot_general3A_73 = tpu.matmul %convert_element_type3A_72, %select_n3A_67, %dot_general3A {dimension_numbers = #tpu.dot_dimension_numbers<[0], [0], [1], [1], [0, 1, 1, 1], [], []>, transpose_lhs_hint = false} : vector<10240x64xf32>, vector<10240x128xf32>, vector<64x128xf32> -> vector<64x128xf32>
    %reduce_sum3A_74 = arith.constant dense<0.000000e+00> : vector<64xf32>
    %reduce_sum3A_75 = vector.multi_reduction <add>, %convert_element_type3A_72, %reduce_sum3A_74 [0] : vector<10240x64xf32> to vector<64xf32>
    %broadcast_in_dim3A_76 = vector.shape_cast %reduce_sum3A_75 : vector<64xf32> to vector<1x64xf32>
    %jit3A_77 = arith.constant 1.000000e+00 : f32
    %max3A_78 = vector.broadcast %jit3A_77 : f32 to vector<1x64xf32>
    %max3A_79 = arith.maximumf %max3A_78, %broadcast_in_dim3A_76 : vector<1x64xf32>
    %reshape3A_80 = vector.shape_cast %max3A_79 : vector<1x64xf32> to vector<64x1xf32>
    %div3A = vector.broadcast %reshape3A_80 : vector<64x1xf32> to vector<64x128xf32>
    %div3A_81 = arith.divf %dot_general3A_73, %div3A : vector<64x128xf32>
    %get3A_82 = arith.constant 0 : index
    %get3A_83 = arith.constant 0 : index
    %get3A_84 = vector.load %arg6[%get3A_82, %get3A_83] : memref<128x40xf32, #tpu.memory_space<vmem>>, vector<128x40xf32>
    %dot_general3A_85 = arith.constant dense<0.000000e+00> : vector<64x40xf32>
    %dot_general3A_86 = tpu.matmul %div3A_81, %get3A_84, %dot_general3A_85 {dimension_numbers = #tpu.dot_dimension_numbers<[1], [0], [0], [1], [0, 0, 1, 1], [], []>, transpose_lhs_hint = false} : vector<64x128xf32>, vector<128x40xf32>, vector<64x40xf32> -> vector<64x40xf32>
    %get3A_87 = arith.constant 0 : index
    %get3A_88 = arith.constant 0 : index
    %get3A_89 = vector.load %arg7[%get3A_87, %get3A_88] : memref<1x40xf32, #tpu.memory_space<vmem>>, vector<1x40xf32>
    %add3A_90 = vector.broadcast %get3A_89 : vector<1x40xf32> to vector<64x40xf32>
    %add3A_91 = arith.addf %dot_general3A_86, %add3A_90 : vector<64x40xf32>
    %swap3A = arith.constant 0 : index
    %swap3A_92 = arith.constant 0 : index
    %swap3A_93 = vector.load %arg8[%swap3A, %swap3A_92] : memref<64x40xf32, #tpu.memory_space<vmem>>, vector<64x40xf32>
    tpu.vector_store %arg8[%swap3A, %swap3A_92], %add3A_91 {strides = array<i32>} : memref<64x40xf32, #tpu.memory_space<vmem>>, vector<64x40xf32>,
    return
  }
}

</mosaic_0001>

<sc_bundles>
// kernel: kernel.10.cloned.1.call-start
scs
__scs_entry_jumppad:
0x0: {  	(pc) =	sbr.rel $0x88, $3  }
0x1: {  	(tag) =	ssettag $0x0;
	lr =	simm.s32 $0x1  }
0x2: {  	[smem:$0x3F94] =	sst lr;
	_ =	strace $0xD0000000  }
0x3: {  	_ = 	snop  }
0x4: {  	_ = 	snop  }
0x5: {  	_ = 	snop  }
0x6: {  	_ = 	snop  }
0x7: {  	_ = 	snop  }
__scs_overlays_trampoline_lowered:
0x8: {  	[smem:$0x3FA3] =	sst s0  }
0x9: {  	[smem:$0x3FA4] =	sst s1  }
0xa: {  	[smem:$0x3FA5] =	sst s2  }
0xb: {  	[smem:$0x3FA6] =	sst s3  }
0xc: {  	[smem:$0x3FA7] =	sst s4  }
0xd: {  	[smem:$0x3FA8] =	sst s5  }
0xe: {  	[smem:$0x3FA9] =	sst s6  }
0xf: {  	[smem:$0x3FAA] =	sst s7  }
0x10: {  	[smem:$0x3FAB] =	sst s8  }
0x11: {  	[smem:$0x3FAC] =	sst s9;
	s0 =	simm.s32 @!p0 $0x0  }
0x12: {  	s1 =	sld [smem:$0x3F92];
	s0 =	simm.s32 @p0 $0x1  }
0x13: {  	[smem:$0x3FAD] =	sst s0;
	s0 =	simm.s32 @!p1 $0x0  }
0x14: {  	s2 =	sld [smem:$0x3F91];
	s0 =	simm.s32 @p1 $0x1  }
0x15: {  	[smem:$0x3FAE] =	sst s0;
	s0 =	simm.s32 @!p2 $0x0  }
0x16: {  	s3 =	sld [smem:$0x3FDB];
	s0 =	simm.s32 @p2 $0x1  }
0x17: {  	s4 =	simm.s32 $0x1BF5;
	[smem:$0x3FB0] =	sst s0  }
0x18: {  	s0 =	sld [smem:$0x3F93];
	_ =	swait.ge [sflag:s4], $0x0  }
0x19: {  	s7 =	sld [smem:$0x3F94]  }
0x1a: {  	s8 =	sadd.s32 $0xFFFFE003, lr  }
0x1b: {  	s9 =	sadd.s32 $0xFFFFFEF7, lr;
	s5 =	simm.s32 $0xFFFFFFFF;
	p2 =	slt.u32 s8, $0xFFFFF086  }
0x1c: {  	p1 =	slt.u32 s9, $0xF7A;
	s5 =	simm.s32 @!p2 $0x0  }
0x1d: {  	s5 =	simm.s32 @p1 $0x1;
	p0 =	seq.s32 s7, s2  }
0x1e: {  	s7 =	smul.u32 @!p0 $0xF7A, s2;
	p2 =	seq.s32 @!p0 s5, $0x0  }
0x1f: {  	s9 =	smul.u32 $0xF7A, s1;
	s8 =	simm.s32 @!p0 $0x1BF5;
	p2 =	por !p2, p0  }
0x20: {  	[sflag:s8] =	ssyncset.s32 @!p0 $0xFFFFF086;
	s6 =	sadd.s32 @!p0 s3, s7;
	s7 =	simm.s32 @!p0 $0x108  }
0x21: {  	s3 =	sadd.s32 s3, s9;
	s6 =	sadd.s32 @!p0 $0x88, s6;
	s7 =	simm.s32 @p2 $0x1082  }
0x22: {  	[simem:s7], [sflag:s8] =	dma.local @!p0 [hbm:s6], $0xF7A  }
0x23: {  	s9 =	sor.u32 $0xD0000000, s2;
	s6 =	simm.s32 $0x108;
	_ =	swait.ge @!p0 [sflag:s8], $0x0  }
0x24: {  	s3 =	sadd.s32 $0x88, s3;
	s6 =	simm.s32 @!p1 $0x1082;
	[sflag:s4] =	ssyncset.s32 $0xFFFFF086  }
0x25: {  	[simem:s6], [sflag:s4] =	dma.local [hbm:s3], $0xF7A  }
0x26: {  	[smem:$0x3F94] =	sst s1;
	(tag) =	ssettag s2;
	_ =	strace s9  }
0x27: {  	s1 =	sld [smem:$0x3FA4]  }
0x28: {  	s2 =	sld [smem:$0x3FA5]  }
0x29: {  	s4 =	sld [smem:$0x3FA7]  }
0x2a: {  	p0 =	seq.s32 s5, $0x0;
	s5 =	sld [smem:$0x3FA8]  }
0x2b: {  	s6 =	sld [smem:$0x3FA9]  }
0x2c: {  	s7 =	sld [smem:$0x3FAA]  }
0x2d: {  	s3 =	simm.s32 $0x108;
	s8 =	sld [smem:$0x3FAB]  }
0x2e: {  	s3 =	simm.s32 @!p0 $0x1082;
	s9 =	sld [smem:$0x3FAC]  }
0x2f: {  	lr =	sadd.s32 s0, s3;
	s0 =	sld [smem:$0x3FA3]  }
0x30: {  	s3 =	sld [smem:$0x3FA6]  }
0x31: {  	[smem:$0x3FAF] =	sst s10  }
0x32: {  	s10 =	sld [smem:$0x3FAD];
	_ =	sdelay $0x3  }
0x33: {  	p0 =	seq.s32 s10, $0x1;
	s10 =	sld [smem:$0x3FAF];
	_ =	sdelay $0x3  }
0x34: {  	[smem:$0x3FAF] =	sst s10  }
0x35: {  	s10 =	sld [smem:$0x3FAE];
	_ =	sdelay $0x3  }
0x36: {  	p1 =	seq.s32 s10, $0x1;
	s10 =	sld [smem:$0x3FAF];
	_ =	sdelay $0x3  }
0x37: {  	[smem:$0x3FAF] =	sst s10  }
0x38: {  	s10 =	sld [smem:$0x3FB0]  }
0x39: {  	_ = 	snop;
	(pc) =	sbr.ind lr, $3  }
0x3a: {  	_ = 	snop  }
0x3b: {  	_ = 	snop  }
0x3c: {  	p2 =	seq.s32 s10, $0x1;
	s10 =	sld [smem:$0x3FAF]  }
0x3d: {  	_ =	shalt  }
0x3e: {  	_ =	shalt  }
0x3f: {  	_ =	shalt  }
0x40: {  	_ =	shalt  }
0x41: {  	_ =	shalt  }
0x42: {  	_ =	shalt  }
0x43: {  	_ =	shalt  }
0x44: {  	_ =	shalt  }
0x45: {  	_ =	shalt  }
0x46: {  	_ =	shalt  }
0x47: {  	_ =	shalt  }
0x48: {  	_ =	shalt  }
0x49: {  	_ =	shalt  }
0x4a: {  	_ =	shalt  }
0x4b: {  	_ =	shalt  }
0x4c: {  	_ =	shalt  }
0x4d: {  	_ =	shalt  }
0x4e: {  	_ =	shalt  }
0x4f: {  	_ =	shalt  }
0x50: {  	_ =	shalt  }
0x51: {  	_ =	shalt  }
0x52: {  	_ =	shalt  }
0x53: {  	_ =	shalt  }
0x54: {  	_ =	shalt  }
0x55: {  	_ =	shalt  }
0x56: {  	_ =	shalt  }
0x57: {  	_ =	shalt  }
0x58: {  	_ =	shalt  }
0x59: {  	_ =	shalt  }
0x5a: {  	_ =	shalt  }
0x5b: {  	_ =	shalt  }
0x5c: {  	_ =	shalt  }
0x5d: {  	_ =	shalt  }
0x5e: {  	_ =	shalt  }
0x5f: {  	_ =	shalt  }
0x60: {  	_ =	shalt  }
0x61: {  	_ =	shalt  }
0x62: {  	_ =	shalt  }
0x63: {  	_ =	shalt  }
0x64: {  	_ =	shalt  }
0x65: {  	_ =	shalt  }
0x66: {  	_ =	shalt  }
0x67: {  	_ =	shalt  }
0x68: {  	_ =	shalt  }
0x69: {  	_ =	shalt  }
0x6a: {  	_ =	shalt  }
0x6b: {  	_ =	shalt  }
0x6c: {  	_ =	shalt  }
0x6d: {  	_ =	shalt  }
0x6e: {  	_ =	shalt  }
0x6f: {  	_ =	shalt  }
0x70: {  	_ =	shalt  }
0x71: {  	_ =	shalt  }
0x72: {  	_ =	shalt  }
0x73: {  	_ =	shalt  }
0x74: {  	_ =	shalt  }
0x75: {  	_ =	shalt  }
0x76: {  	_ =	shalt  }
0x77: {  	_ =	shalt  }
0x78: {  	_ =	shalt  }
0x79: {  	_ =	shalt  }
0x7a: {  	_ =	shalt  }
0x7b: {  	_ =	shalt  }
0x7c: {  	_ =	shalt  }
0x7d: {  	_ =	shalt  }
0x7e: {  	_ =	shalt  }
0x7f: {  	_ =	shalt  }
0x80: {  	_ =	shalt  }
0x81: {  	_ =	shalt  }
0x82: {  	_ =	shalt  }
0x83: {  	_ =	shalt  }
0x84: {  	_ =	shalt  }
0x85: {  	_ =	shalt  }
0x86: {  	_ =	shalt  }
0x87: {  	_ =	shalt  }
.Lfunc_end0:
.L_simem_size_0:
called_computation_lowered:
.L_overlay_start_0:
0x88: {  	s2 =	sld [smem:$0x3FD9]  }
0x89: {  	s3 =	sld [smem:$0x3FFE];
	_ =	sdelay $0x1  }
0x8a: {  	s1 =	srdreg.scid  }
0x8b: {  	s0 =	sand.u32 $0x1, s1  }
0x8c: {  	s16 =	sshll.u32 s0, $0xA;
	s2 =	sadd.s32 s3, s2  }
0x8d: {  	s2 =	sadd.s32 s2, s16  }
0x8e: {  	[smem:$0x3FBB] =	sst s2  }
0x8f: {  	_ = 	snop  }
0x90: {  	(tm) =	ssettm $0x1  }
0x91: {  	s17 =	sld [smem:$0x3FFB];
	_ =	sdelay $0x3  }
0x92: {  	_ =	strace s17  }
0x93: {  	s2 =	sld [smem:$0x3FFC];
	_ =	sdelay $0x3  }
0x94: {  	_ =	strace s2  }
0x95: {  	s2 =	sld [smem:$0x3FFD];
	_ =	sdelay $0x3  }
0x96: {  	_ =	strace s2  }
0x97: {  	_ =	strace $0x8FFFFFFF  }
0x98: {  	s18 =	sld [smem:$0x3FDB];
	_ =	sdelay $0x1  }
0x99: {  	s19 =	simm.s32 $_scs_section_size  }
0x9a: {  	s4 =	simm.s32 $_size__tile_overlayer_lowered;
	s5 =	simm.s32 $_tile_overlayer_lowered  }
0x9b: {  	s22 =	simm.s32 $0x1BFF;
	s21 =	sshll.u32 s5, $0x1;
	s2 =	sadd.s32 s19, s18  }
0x9c: {  	s6 =	simm.s32 $0x0;
	s20 =	sshll.u32 s4, $0x1;
	s4 =	sadd.s32 s21, s2  }
0x9d: {  	[timem:s6], [sflag:s22] =	dma.local [hbm:s4], s20  }
0x9e: {  	_ =	swait.ge [sflag:s22], s20  }
0x9f: {  	s3 =	ssub.s32 $0x0, s20;
	[sflag:s22] =	ssyncset.done $0x0  }
0xa0: {  	[sflag:s22] =	ssyncadd.s32 s3;
	_ =	sdelay $0x1  }
0xa1: {  	s23 =	simm.s32 $0x1B8B  }
0xa2: {  	_ =	swait.ge [sflag:s23], $0x1  }
0xa3: {  	[sflag:s23] =	ssyncset.done $0x0  }
0xa4: {  	s25 =	simm.s32 $0x1B8E;
	s24 =	sld [smem:$0x3FFE];
	[sflag:s23] =	ssyncadd.s32 $0xFFFFFFFF  }
0xa5: {  	s26 =	simm.s32 $execute0_lowered;
	[smem:$0x3FD2] =	sst s25  }
0xa6: {  	s4 =	sshll.u32 s26, $0x1;
	_ =	strace $0x80000046;
	[dreg:$0x1] =	wrdreg $0xFFFFFFFF  }
0xa7: {  	s28 =	simm.s32 $_size_execute0_lowered;
	s2 =	sadd.s32 s2, s4;
	[dreg:$0x0] =	wrdreg $0x0  }
0xa8: {  	s4 =	sshll.u32 s28, $0x1;
	[dreg:$0x2] =	wrdreg s2  }
0xa9: {  	[dreg:$0x3] =	wrdreg s4  }
0xaa: {  	[dreg:$0x4] =	wrdreg $0xC0  }
0xab: {  	_ =	task [dreg:s6], $0x5FFFF  }
0xac: {  	[dreg:$0x1] =	wrdreg $0xFFFFFFFF  }
0xad: {  	[dreg:$0x0] =	wrdreg $0x60  }
0xae: {  	[dreg:$0x2] =	wrdreg s24  }
0xaf: {  	[dreg:$0x3] =	wrdreg $0x6C000  }
0xb0: {  	[dreg:$0x4] =	wrdreg $0x9  }
0xb1: {  	_ =	task.clear_ibuf [dreg:s6], $0x5FFFF;
	_ =	strace $0x90000046  }
0xb2: {  	s29 =	simm.s32 $0x9;
	_ =	strace $0x80000048  }
0xb3: {  	_ =	swait.ge [sflag:s29], $0x1  }
0xb4: {  	[sflag:s29] =	ssyncadd.s32 $0xFFFFFFFF  }
0xb5: {  	_ =	strace $0x90000048  }
0xb6: {  	_ =	sfence  }
0xb7: {  	s30 =	sld [smem:$0x0];
	_ =	sdelay $0x2  }
0xb8: {  	s31 =	sshll.u32 s1, $0xD;
	s1 =	sshrl.u32 s1, $0x2  }
0xb9: {  	s3 =	sand.u32 $0x4000, s31;
	s1 =	sadd.s32 s1, s30  }
0xba: {  	s0 =	sor.u32 s3, s0;
	s1 =	sshll.u32 s1, $0x11  }
0xbb: {  	s0 =	sor.u32 s1, s0  }
0xbc: {  	s0 =	sadd.s32 $0x8F2B, s0  }
0xbd: {  	[sflag:s0] =	ssyncadd.remote.s32 $0x1  }
0xbe: {  	_ =	sfence.sel $0xFFFF  }
0xbf: {  	[dreg:$0x0] =	wrdreg $0xFFFFFFFF;
	(pc) =	sbr.abs _section_cstart, $3  }
0xc0: {  	[dreg:$0x1] =	wrdreg $0xFFFFFFFF  }
0xc1: {  	_ =	task.clear_ibuf [dreg:s6], $0x2FFFF;
	_ =	strace $0x9FFFFFFF  }
0xc2: {  	(tm) =	ssettm $0x7FFFFFFF  }
0xc3: {  	_ =	shalt  }
tec
execute0_lowered:
.L_overlay_start_1:
0x0: {  	(tag) =	ssettag $0x1  }
0x1: {  	s7 =	rddreg [dreg:$0x0]  }
0x2: {  	s0 =	srdreg.scid;
	s2 =	rddreg [dreg:$0x1];
	s3 =	simm.s32 $0x0  }
0x3: {  	s13 =	simm.s32 $0x80;
	s14 =	simm.s32 $0x1;
	s6 =	sand.u32 $0x1, s0  }
0x4: {  	s15 =	simm.s32 $0x0;
	s0 =	stileid.u32;
	s5 =	smul.u32 $0x140000, s6  }
0x5: {  	[smem:$0x7FF] =	sst s3;
	s1 =	sshll.u32 s6, $0x4;
	s8 =	smul.u32 $0x14000, s0  }
0x6: {  	s10 =	smul.u32 $0x50000, s0;
	s6 =	ssub.s32 $0x2, s6;
	s1 =	sor.u32 s0, s1  }
0x7: {  	s11 =	sshll.u32 s0, $0x6;
	s31 =	sshrl.u32 s6, $0x1;
	s4 =	smul.u32 $0x580, s1  }
0x8: {  	s1 =	rddreg [dreg:$0x2];
	_ =	strace $0x80000047;
	s5 =	sadd.s32 s8, s5  }
0x9: {  	s10 =	sshrl.u32 s10, $0x2;
	s12 =	ssub.s32 s6, s31;
	s6 =	sor.u32 $0x1C02, s11  }
0xa: {  	s11 =	simm.s32 $0x2;
	s8 =	sshrl.u32 s5, $0x3;
	s5 =	sadd.s32 $0xEA00, s7  }
0xb: {  	s10 =	sadd.s32 s10, s2;
	s9 =	sadd.s32 s4, s7;
	s4 =	sadd.s32 $0x11200, s7  }
0xc: {  	s8 =	sadd.s32 s8, s7;
	s10 =	sshrl.u32 s10, $0x3;
	s7 =	sadd.s32 $0x3A00, s9  }
0xd: {  	s8 =	sadd.s32 $0x11A00, s8;
	s9 =	smax.u32 s12, $0x1;
	s12 =	simm.s32 $0x2C00  }
.LBB2_1:
0xe: {  	[spmem:s10], [sflag:s6] =	dma.local [hbm:s5], $0x2800  }
0xf: {  	_ =	swait.ge [sflag:s11], $0x2800  }
0x10: {  	[sflag:s11] =	ssyncset.done $0x0  }
0x11: {  	[sflag:s11] =	ssyncadd.s32 $0xFFFFD800  }
0x12: {  	[tilespmem:s12], [sflag:$0x2] =	stream.linear.gather [hbm4b:s4+s3], $0x4000, $0x38;
	[tilespmem:$0x1AC00] =	vst v63  }
0x13: {  	_ =	swait.ge [sflag:s11], $0x4000  }
0x14: {  	[sflag:s11] =	ssyncset.done $0x0  }
0x15: {  	[sflag:s11] =	ssyncadd.s32 $0xFFFFC000  }
0x16: {  	[tilespmem:s3], [sflag:$0x2] =	stream.linear.gather [hbm4b:s7+s3], $0x2A00, $0x38;
	[tilespmem:$0x1AC00] =	vst v63  }
0x17: {  	_ =	swait.ge [sflag:s11], $0x2A00  }
0x18: {  	[sflag:s11] =	ssyncset.done $0x0  }
0x19: {  	[sflag:s11] =	ssyncadd.s32 $0xFFFFD600  }
0x1a: {  	s16 =	simm.s32 $0x0;
	[bflag:$0x0] =	sbarrier.arrive $0xFFFF  }
0x1b: {  	[spmem:s2] =	stream.indirect.scatter.add.f32 [tilespmem:s12], [sflag:$0x1], $0x80, s16, s13, $0xb8;
	[tilespmem:$0x1AC00] =	vst v63  }
0x1c: {  	s26 =	simm.s32 $0x80  }
0x1d: {  	[spmem:s2] =	stream.indirect.scatter.add.f32 [tilespmem:s12], [sflag:$0x1], $0x80, s26, s13, $0xb8;
	[tilespmem:$0x1AC00] =	vst v63  }
0x1e: {  	s28 =	simm.s32 $0x100  }
0x1f: {  	[spmem:s2] =	stream.indirect.scatter.add.f32 [tilespmem:s12], [sflag:$0x1], $0x80, s28, s13, $0xb8;
	[tilespmem:$0x1AC00] =	vst v63  }
0x20: {  	s29 =	simm.s32 $0x180  }
0x21: {  	[spmem:s2] =	stream.indirect.scatter.add.f32 [tilespmem:s12], [sflag:$0x1], $0x80, s29, s13, $0xb8;
	[tilespmem:$0x1AC00] =	vst v63  }
0x22: {  	s30 =	simm.s32 $0x200  }
0x23: {  	[spmem:s2] =	stream.indirect.scatter.add.f32 [tilespmem:s12], [sflag:$0x1], $0x80, s30, s13, $0xb8;
	[tilespmem:$0x1AC00] =	vst v63  }
0x24: {  	s31 =	simm.s32 $0x280  }
0x25: {  	[spmem:s2] =	stream.indirect.scatter.add.f32 [tilespmem:s12], [sflag:$0x1], $0x80, s31, s13, $0xb8;
	[tilespmem:$0x1AC00] =	vst v63  }
0x26: {  	_ =	swait.ge [sflag:s14], $0x4000  }
0x27: {  	[sflag:s14] =	ssyncset.done $0x0  }
0x28: {  	[sflag:s14] =	ssyncadd.s32 $0xFFFFC000  }
0x29: {  	_ =	swait.ge [sflag:s14], $0x4000  }
0x2a: {  	[sflag:s14] =	ssyncset.done $0x0  }
0x2b: {  	[sflag:s14] =	ssyncadd.s32 $0xFFFFC000  }
0x2c: {  	_ =	swait.ge [sflag:s14], $0x4000  }
0x2d: {  	[sflag:s14] =	ssyncset.done $0x0  }
0x2e: {  	[sflag:s14] =	ssyncadd.s32 $0xFFFFC000  }
0x2f: {  	_ =	swait.ge [sflag:s14], $0x4000  }
0x30: {  	[sflag:s14] =	ssyncset.done $0x0  }
0x31: {  	[sflag:s14] =	ssyncadd.s32 $0xFFFFC000  }
0x32: {  	_ =	swait.ge [sflag:s14], $0x4000  }
0x33: {  	[sflag:s14] =	ssyncset.done $0x0  }
0x34: {  	[sflag:s14] =	ssyncadd.s32 $0xFFFFC000  }
0x35: {  	_ =	swait.ge [sflag:s14], $0x4000  }
0x36: {  	s17 =	simm.s32 $0x1800;
	s16 =	simm.s32 $0xC00;
	[sflag:s14] =	ssyncset.done $0x0  }
.LBB2_2:
0x37: {  	s18 =	sshra.s32 s16, $0x2  }
0x38: {  	[sflag:s14] =	ssyncadd.s32 $0xFFFFC000;
	s16 =	smov.u32 s17;
	s19 =	sadd.s32 $0xC00, s17  }
0x39: {  	[spmem:s2] =	stream.indirect.scatter.add.f32 [tilespmem:s12], [sflag:$0x1], $0x80, s18, s13, $0xb8;
	[tilespmem:$0x1AC00] =	vst v63  }
0x3a: {  	p0 =	sne.s32 s17, $0x9C00;
	s17 =	sadd.s32 $0x80, s18  }
0x3b: {  	[spmem:s2] =	stream.indirect.scatter.add.f32 [tilespmem:s12], [sflag:$0x1], $0x80, s17, s13, $0xb8;
	[tilespmem:$0x1AC00] =	vst v63  }
0x3c: {  	s17 =	sadd.s32 $0x100, s18  }
0x3d: {  	[spmem:s2] =	stream.indirect.scatter.add.f32 [tilespmem:s12], [sflag:$0x1], $0x80, s17, s13, $0xb8;
	[tilespmem:$0x1AC00] =	vst v63  }
0x3e: {  	s17 =	sadd.s32 $0x180, s18  }
0x3f: {  	[spmem:s2] =	stream.indirect.scatter.add.f32 [tilespmem:s12], [sflag:$0x1], $0x80, s17, s13, $0xb8;
	[tilespmem:$0x1AC00] =	vst v63  }
0x40: {  	s17 =	sadd.s32 $0x200, s18  }
0x41: {  	[spmem:s2] =	stream.indirect.scatter.add.f32 [tilespmem:s12], [sflag:$0x1], $0x80, s17, s13, $0xb8;
	[tilespmem:$0x1AC00] =	vst v63  }
0x42: {  	s17 =	sadd.s32 $0x280, s18  }
0x43: {  	[spmem:s2] =	stream.indirect.scatter.add.f32 [tilespmem:s12], [sflag:$0x1], $0x80, s17, s13, $0xb8;
	[tilespmem:$0x1AC00] =	vst v63  }
0x44: {  	_ =	swait.ge [sflag:s14], $0x4000  }
0x45: {  	[sflag:s14] =	ssyncset.done $0x0  }
0x46: {  	[sflag:s14] =	ssyncadd.s32 $0xFFFFC000  }
0x47: {  	_ =	swait.ge [sflag:s14], $0x4000  }
0x48: {  	[sflag:s14] =	ssyncset.done $0x0  }
0x49: {  	[sflag:s14] =	ssyncadd.s32 $0xFFFFC000  }
0x4a: {  	_ =	swait.ge [sflag:s14], $0x4000  }
0x4b: {  	[sflag:s14] =	ssyncset.done $0x0  }
0x4c: {  	[sflag:s14] =	ssyncadd.s32 $0xFFFFC000  }
0x4d: {  	_ =	swait.ge [sflag:s14], $0x4000  }
0x4e: {  	[sflag:s14] =	ssyncset.done $0x0  }
0x4f: {  	[sflag:s14] =	ssyncadd.s32 $0xFFFFC000  }
.Ltmp0:
0x50: {  	_ =	swait.ge [sflag:s14], $0x4000;
	(pc) =	sbr.rel @p0 .LBB2_2-.Ltmp0, $4  }
0x51: {  	[sflag:s14] =	ssyncset.done $0x0  }
0x52: {  	[sflag:s14] =	ssyncadd.s32 $0xFFFFC000  }
0x53: {  	_ =	swait.ge [sflag:s14], $0x4000  }
0x54: {  	s17 =	smov.u32 s19;
	[sflag:s14] =	ssyncset.done $0x0  }
0x55: {  	s16 =	sshra.s32 s16, $0x2;
	[sflag:s14] =	ssyncadd.s32 $0xFFFFC000  }
0x56: {  	[spmem:s2] =	stream.indirect.scatter.add.f32 [tilespmem:s12], [sflag:$0x1], $0x80, s16, s13, $0xb8;
	[tilespmem:$0x1AC00] =	vst v63  }
0x57: {  	s17 =	sadd.s32 $0x80, s16  }
0x58: {  	[spmem:s2] =	stream.indirect.scatter.add.f32 [tilespmem:s12], [sflag:$0x1], $0x80, s17, s13, $0xb8;
	[tilespmem:$0x1AC00] =	vst v63  }
0x59: {  	s29 =	sadd.s32 $0x100, s16  }
0x5a: {  	[spmem:s2] =	stream.indirect.scatter.add.f32 [tilespmem:s12], [sflag:$0x1], $0x80, s29, s13, $0xb8;
	[tilespmem:$0x1AC00] =	vst v63  }
0x5b: {  	s30 =	sadd.s32 $0x180, s16  }
0x5c: {  	[spmem:s2] =	stream.indirect.scatter.add.f32 [tilespmem:s12], [sflag:$0x1], $0x80, s30, s13, $0xb8;
	[tilespmem:$0x1AC00] =	vst v63  }
0x5d: {  	s31 =	sadd.s32 $0x200, s16  }
0x5e: {  	[spmem:s2] =	stream.indirect.scatter.add.f32 [tilespmem:s12], [sflag:$0x1], $0x80, s31, s13, $0xb8;
	[tilespmem:$0x1AC00] =	vst v63  }
0x5f: {  	s16 =	sadd.s32 $0x280, s16  }
0x60: {  	[spmem:s2] =	stream.indirect.scatter.add.f32 [tilespmem:s12], [sflag:$0x1], $0x80, s16, s13, $0xb8;
	[tilespmem:$0x1AC00] =	vst v63  }
0x61: {  	_ =	swait.ge [sflag:s14], $0x4000  }
0x62: {  	[sflag:s14] =	ssyncset.done $0x0  }
0x63: {  	[sflag:s14] =	ssyncadd.s32 $0xFFFFC000  }
0x64: {  	_ =	swait.ge [sflag:s14], $0x4000  }
0x65: {  	[sflag:s14] =	ssyncset.done $0x0  }
0x66: {  	[sflag:s14] =	ssyncadd.s32 $0xFFFFC000  }
0x67: {  	_ =	swait.ge [sflag:s14], $0x4000  }
0x68: {  	[sflag:s14] =	ssyncset.done $0x0  }
0x69: {  	[sflag:s14] =	ssyncadd.s32 $0xFFFFC000  }
0x6a: {  	_ =	swait.ge [sflag:s14], $0x4000  }
0x6b: {  	[sflag:s14] =	ssyncset.done $0x0  }
0x6c: {  	[sflag:s14] =	ssyncadd.s32 $0xFFFFC000  }
0x6d: {  	_ =	swait.ge [sflag:s14], $0x4000  }
0x6e: {  	[sflag:s14] =	ssyncset.done $0x0  }
0x6f: {  	[sflag:s14] =	ssyncadd.s32 $0xFFFFC000  }
0x70: {  	_ =	swait.ge [sflag:s14], $0x4000  }
0x71: {  	s15 =	sadd.s32 $0x1, s15;
	[sflag:s14] =	ssyncset.done $0x0  }
0x72: {  	p0 =	sne.s32 s15, s9;
	[sflag:s14] =	ssyncadd.s32 $0xFFFFC000  }
.Ltmp1:
0x73: {  	[bflag:$0x0] =	sbarrier.arrive $0xFFFF;
	(pc) =	sbr.rel @p0 .LBB2_1-.Ltmp1, $4  }
0x74: {  	[hbm:s8], [sflag:s6] =	dma.local [spmem:s10], $0x2800  }
0x75: {  	_ =	swait.ge [sflag:s11], $0x2800  }
0x76: {  	[sflag:s11] =	ssyncset.done $0x0  }
0x77: {  	[sflag:s11] =	ssyncadd.s32 $0xFFFFD800  }
0x78: {  	_ =	sfence.sel $0x180000  }
0x79: {  	[bflag:$0x0] =	sbarrier.arrive $0xFFFF  }
0x7a: {  	p0 =	sne.s32 s0, $0x0;
	_ =	strace $0x90000047  }
0x7b: {  	s0 =	sadd.s32 @!p0 $0x100000, s1;
	[bflag:$0x2] =	sbarrier.arrive $0xFFFF  }
0x7c: {  	[sflag:s0] =	ssyncadd.tile.s32 @!p0 $0x1;
	_ =	shalt  }
.Lfunc_end2:
_tile_overlayer_lowered:
.L_overlay_start_2:
0x7d: {  	(tag) =	ssettag $0x2  }
0x7e: {  	s0 =	rddreg [dreg:$0x0];
	s2 =	stileid.u32  }
0x7f: {  	s1 =	rddreg [dreg:$0x1];
	p0 =	sne.s32 s2, $0x0  }
0x80: {  	s3 =	rddreg [dreg:$0x2];
	[bflag:$0x3] =	sbarrier.arrive $0xFFFF;
	s2 =	simm.s32 @!p0 $0x1C02  }
0x81: {  	[timem:s3], [sflag:s2] =	dma.local @!p0 [hbm:s0], s1  }
0x82: {  	s0 =	simm.s32 @!p0 $0x2  }
0x83: {  	_ =	swait.ge @!p0 [sflag:s0], s1  }
0x84: {  	s1 =	ssub.s32 @!p0 $0x0, s1;
	[sflag:s0] =	ssyncset.done @!p0 $0x0  }
0x85: {  	[sflag:s0] =	ssyncadd.s32 @!p0 s1  }
0x86: {  	[bflag:$0x3] =	sbarrier.arrive $0xFFFF  }
0x87: {  	_ =	shalt  }

// kernel: kernel.13.cloned.1.call-start
scs
__scs_entry_jumppad:
0x0: {  	(pc) =	sbr.rel $0x88, $3  }
0x1: {  	(tag) =	ssettag $0x0;
	lr =	simm.s32 $0x1  }
0x2: {  	[smem:$0x3F94] =	sst lr;
	_ =	strace $0xD0000000  }
0x3: {  	_ = 	snop  }
0x4: {  	_ = 	snop  }
0x5: {  	_ = 	snop  }
0x6: {  	_ = 	snop  }
0x7: {  	_ = 	snop  }
__scs_overlays_trampoline_lowered:
0x8: {  	[smem:$0x3FA3] =	sst s0  }
0x9: {  	[smem:$0x3FA4] =	sst s1  }
0xa: {  	[smem:$0x3FA5] =	sst s2  }
0xb: {  	[smem:$0x3FA6] =	sst s3  }
0xc: {  	[smem:$0x3FA7] =	sst s4  }
0xd: {  	[smem:$0x3FA8] =	sst s5  }
0xe: {  	[smem:$0x3FA9] =	sst s6  }
0xf: {  	[smem:$0x3FAA] =	sst s7  }
0x10: {  	[smem:$0x3FAB] =	sst s8  }
0x11: {  	[smem:$0x3FAC] =	sst s9;
	s0 =	simm.s32 @!p0 $0x0  }
0x12: {  	s1 =	sld [smem:$0x3F92];
	s0 =	simm.s32 @p0 $0x1  }
0x13: {  	[smem:$0x3FAD] =	sst s0;
	s0 =	simm.s32 @!p1 $0x0  }
0x14: {  	s2 =	sld [smem:$0x3F91];
	s0 =	simm.s32 @p1 $0x1  }
0x15: {  	[smem:$0x3FAE] =	sst s0;
	s0 =	simm.s32 @!p2 $0x0  }
0x16: {  	s3 =	sld [smem:$0x3FDB];
	s0 =	simm.s32 @p2 $0x1  }
0x17: {  	s4 =	simm.s32 $0x1BF5;
	[smem:$0x3FB0] =	sst s0  }
0x18: {  	s0 =	sld [smem:$0x3F93];
	_ =	swait.ge [sflag:s4], $0x0  }
0x19: {  	s7 =	sld [smem:$0x3F94]  }
0x1a: {  	s8 =	sadd.s32 $0xFFFFE003, lr  }
0x1b: {  	s9 =	sadd.s32 $0xFFFFFEF7, lr;
	s5 =	simm.s32 $0xFFFFFFFF;
	p2 =	slt.u32 s8, $0xFFFFF086  }
0x1c: {  	p1 =	slt.u32 s9, $0xF7A;
	s5 =	simm.s32 @!p2 $0x0  }
0x1d: {  	s5 =	simm.s32 @p1 $0x1;
	p0 =	seq.s32 s7, s2  }
0x1e: {  	s7 =	smul.u32 @!p0 $0xF7A, s2;
	p2 =	seq.s32 @!p0 s5, $0x0  }
0x1f: {  	s9 =	smul.u32 $0xF7A, s1;
	s8 =	simm.s32 @!p0 $0x1BF5;
	p2 =	por !p2, p0  }
0x20: {  	[sflag:s8] =	ssyncset.s32 @!p0 $0xFFFFF086;
	s6 =	sadd.s32 @!p0 s3, s7;
	s7 =	simm.s32 @!p0 $0x108  }
0x21: {  	s3 =	sadd.s32 s3, s9;
	s6 =	sadd.s32 @!p0 $0x88, s6;
	s7 =	simm.s32 @p2 $0x1082  }
0x22: {  	[simem:s7], [sflag:s8] =	dma.local @!p0 [hbm:s6], $0xF7A  }
0x23: {  	s9 =	sor.u32 $0xD0000000, s2;
	s6 =	simm.s32 $0x108;
	_ =	swait.ge @!p0 [sflag:s8], $0x0  }
0x24: {  	s3 =	sadd.s32 $0x88, s3;
	s6 =	simm.s32 @!p1 $0x1082;
	[sflag:s4] =	ssyncset.s32 $0xFFFFF086  }
0x25: {  	[simem:s6], [sflag:s4] =	dma.local [hbm:s3], $0xF7A  }
0x26: {  	[smem:$0x3F94] =	sst s1;
	(tag) =	ssettag s2;
	_ =	strace s9  }
0x27: {  	s1 =	sld [smem:$0x3FA4]  }
0x28: {  	s2 =	sld [smem:$0x3FA5]  }
0x29: {  	s4 =	sld [smem:$0x3FA7]  }
0x2a: {  	p0 =	seq.s32 s5, $0x0;
	s5 =	sld [smem:$0x3FA8]  }
0x2b: {  	s6 =	sld [smem:$0x3FA9]  }
0x2c: {  	s7 =	sld [smem:$0x3FAA]  }
0x2d: {  	s3 =	simm.s32 $0x108;
	s8 =	sld [smem:$0x3FAB]  }
0x2e: {  	s3 =	simm.s32 @!p0 $0x1082;
	s9 =	sld [smem:$0x3FAC]  }
0x2f: {  	lr =	sadd.s32 s0, s3;
	s0 =	sld [smem:$0x3FA3]  }
0x30: {  	s3 =	sld [smem:$0x3FA6]  }
0x31: {  	[smem:$0x3FAF] =	sst s10  }
0x32: {  	s10 =	sld [smem:$0x3FAD];
	_ =	sdelay $0x3  }
0x33: {  	p0 =	seq.s32 s10, $0x1;
	s10 =	sld [smem:$0x3FAF];
	_ =	sdelay $0x3  }
0x34: {  	[smem:$0x3FAF] =	sst s10  }
0x35: {  	s10 =	sld [smem:$0x3FAE];
	_ =	sdelay $0x3  }
0x36: {  	p1 =	seq.s32 s10, $0x1;
	s10 =	sld [smem:$0x3FAF];
	_ =	sdelay $0x3  }
0x37: {  	[smem:$0x3FAF] =	sst s10  }
0x38: {  	s10 =	sld [smem:$0x3FB0]  }
0x39: {  	_ = 	snop;
	(pc) =	sbr.ind lr, $3  }
0x3a: {  	_ = 	snop  }
0x3b: {  	_ = 	snop  }
0x3c: {  	p2 =	seq.s32 s10, $0x1;
	s10 =	sld [smem:$0x3FAF]  }
0x3d: {  	_ =	shalt  }
0x3e: {  	_ =	shalt  }
0x3f: {  	_ =	shalt  }
0x40: {  	_ =	shalt  }
0x41: {  	_ =	shalt  }
0x42: {  	_ =	shalt  }
0x43: {  	_ =	shalt  }
0x44: {  	_ =	shalt  }
0x45: {  	_ =	shalt  }
0x46: {  	_ =	shalt  }
0x47: {  	_ =	shalt  }
0x48: {  	_ =	shalt  }
0x49: {  	_ =	shalt  }
0x4a: {  	_ =	shalt  }
0x4b: {  	_ =	shalt  }
0x4c: {  	_ =	shalt  }
0x4d: {  	_ =	shalt  }
0x4e: {  	_ =	shalt  }
0x4f: {  	_ =	shalt  }
0x50: {  	_ =	shalt  }
0x51: {  	_ =	shalt  }
0x52: {  	_ =	shalt  }
0x53: {  	_ =	shalt  }
0x54: {  	_ =	shalt  }
0x55: {  	_ =	shalt  }
0x56: {  	_ =	shalt  }
0x57: {  	_ =	shalt  }
0x58: {  	_ =	shalt  }
0x59: {  	_ =	shalt  }
0x5a: {  	_ =	shalt  }
0x5b: {  	_ =	shalt  }
0x5c: {  	_ =	shalt  }
0x5d: {  	_ =	shalt  }
0x5e: {  	_ =	shalt  }
0x5f: {  	_ =	shalt  }
0x60: {  	_ =	shalt  }
0x61: {  	_ =	shalt  }
0x62: {  	_ =	shalt  }
0x63: {  	_ =	shalt  }
0x64: {  	_ =	shalt  }
0x65: {  	_ =	shalt  }
0x66: {  	_ =	shalt  }
0x67: {  	_ =	shalt  }
0x68: {  	_ =	shalt  }
0x69: {  	_ =	shalt  }
0x6a: {  	_ =	shalt  }
0x6b: {  	_ =	shalt  }
0x6c: {  	_ =	shalt  }
0x6d: {  	_ =	shalt  }
0x6e: {  	_ =	shalt  }
0x6f: {  	_ =	shalt  }
0x70: {  	_ =	shalt  }
0x71: {  	_ =	shalt  }
0x72: {  	_ =	shalt  }
0x73: {  	_ =	shalt  }
0x74: {  	_ =	shalt  }
0x75: {  	_ =	shalt  }
0x76: {  	_ =	shalt  }
0x77: {  	_ =	shalt  }
0x78: {  	_ =	shalt  }
0x79: {  	_ =	shalt  }
0x7a: {  	_ =	shalt  }
0x7b: {  	_ =	shalt  }
0x7c: {  	_ =	shalt  }
0x7d: {  	_ =	shalt  }
0x7e: {  	_ =	shalt  }
0x7f: {  	_ =	shalt  }
0x80: {  	_ =	shalt  }
0x81: {  	_ =	shalt  }
0x82: {  	_ =	shalt  }
0x83: {  	_ =	shalt  }
0x84: {  	_ =	shalt  }
0x85: {  	_ =	shalt  }
0x86: {  	_ =	shalt  }
0x87: {  	_ =	shalt  }
.Lfunc_end0:
.L_simem_size_0:
called_computation.1_lowered:
.L_overlay_start_0:
0x88: {  	s2 =	sld [smem:$0x3FD9]  }
0x89: {  	s3 =	sld [smem:$0x3FFE];
	_ =	sdelay $0x1  }
0x8a: {  	s1 =	srdreg.scid  }
0x8b: {  	s0 =	sand.u32 $0x1, s1  }
0x8c: {  	s16 =	sshll.u32 s0, $0xA;
	s2 =	sadd.s32 s3, s2  }
0x8d: {  	s2 =	sadd.s32 s2, s16  }
0x8e: {  	[smem:$0x3FBB] =	sst s2  }
0x8f: {  	_ = 	snop  }
0x90: {  	(tm) =	ssettm $0x1  }
0x91: {  	s17 =	sld [smem:$0x3FFB];
	_ =	sdelay $0x3  }
0x92: {  	_ =	strace s17  }
0x93: {  	s2 =	sld [smem:$0x3FFC];
	_ =	sdelay $0x3  }
0x94: {  	_ =	strace s2  }
0x95: {  	s2 =	sld [smem:$0x3FFD];
	_ =	sdelay $0x3  }
0x96: {  	_ =	strace s2  }
0x97: {  	_ =	strace $0x8FFFFFFF  }
0x98: {  	s18 =	sld [smem:$0x3FDB];
	_ =	sdelay $0x1  }
0x99: {  	s19 =	simm.s32 $_scs_section_size  }
0x9a: {  	s4 =	simm.s32 $_size__tile_overlayer_lowered;
	s5 =	simm.s32 $_tile_overlayer_lowered  }
0x9b: {  	s22 =	simm.s32 $0x1BFF;
	s21 =	sshll.u32 s5, $0x1;
	s2 =	sadd.s32 s19, s18  }
0x9c: {  	s6 =	simm.s32 $0x0;
	s20 =	sshll.u32 s4, $0x1;
	s4 =	sadd.s32 s21, s2  }
0x9d: {  	[timem:s6], [sflag:s22] =	dma.local [hbm:s4], s20  }
0x9e: {  	_ =	swait.ge [sflag:s22], s20  }
0x9f: {  	s3 =	ssub.s32 $0x0, s20;
	[sflag:s22] =	ssyncset.done $0x0  }
0xa0: {  	[sflag:s22] =	ssyncadd.s32 s3;
	_ =	sdelay $0x1  }
0xa1: {  	s23 =	simm.s32 $0x1B8B  }
0xa2: {  	_ =	swait.ge [sflag:s23], $0x1  }
0xa3: {  	[sflag:s23] =	ssyncset.done $0x0  }
0xa4: {  	s25 =	simm.s32 $0x1B8E;
	s24 =	sld [smem:$0x3FFE];
	[sflag:s23] =	ssyncadd.s32 $0xFFFFFFFF  }
0xa5: {  	s26 =	simm.s32 $execute0_lowered;
	[smem:$0x3FD2] =	sst s25  }
0xa6: {  	s4 =	sshll.u32 s26, $0x1;
	_ =	strace $0x80000049;
	[dreg:$0x1] =	wrdreg $0xFFFFFFFF  }
0xa7: {  	s28 =	simm.s32 $_size_execute0_lowered;
	s2 =	sadd.s32 s2, s4;
	[dreg:$0x0] =	wrdreg $0x0  }
0xa8: {  	s4 =	sshll.u32 s28, $0x1;
	[dreg:$0x2] =	wrdreg s2  }
0xa9: {  	[dreg:$0x3] =	wrdreg s4  }
0xaa: {  	[dreg:$0x4] =	wrdreg $0xC0  }
0xab: {  	_ =	task [dreg:s6], $0x5FFFF  }
0xac: {  	[dreg:$0x1] =	wrdreg $0xFFFFFFFF  }
0xad: {  	[dreg:$0x0] =	wrdreg $0x60  }
0xae: {  	[dreg:$0x2] =	wrdreg s24  }
0xaf: {  	[dreg:$0x3] =	wrdreg $0x98000  }
0xb0: {  	[dreg:$0x4] =	wrdreg $0x9  }
0xb1: {  	_ =	task.clear_ibuf [dreg:s6], $0x5FFFF;
	_ =	strace $0x90000049  }
0xb2: {  	s29 =	simm.s32 $0x9;
	_ =	strace $0x8000004B  }
0xb3: {  	_ =	swait.ge [sflag:s29], $0x1  }
0xb4: {  	[sflag:s29] =	ssyncadd.s32 $0xFFFFFFFF  }
0xb5: {  	_ =	strace $0x9000004B  }
0xb6: {  	_ =	sfence  }
0xb7: {  	s30 =	sld [smem:$0x0];
	_ =	sdelay $0x2  }
0xb8: {  	s31 =	sshll.u32 s1, $0xD;
	s1 =	sshrl.u32 s1, $0x2  }
0xb9: {  	s3 =	sand.u32 $0x4000, s31;
	s1 =	sadd.s32 s1, s30  }
0xba: {  	s0 =	sor.u32 s3, s0;
	s1 =	sshll.u32 s1, $0x11  }
0xbb: {  	s0 =	sor.u32 s1, s0  }
0xbc: {  	s0 =	sadd.s32 $0x8F2B, s0  }
0xbd: {  	[sflag:s0] =	ssyncadd.remote.s32 $0x1  }
0xbe: {  	_ =	sfence.sel $0xFFFF  }
0xbf: {  	[dreg:$0x0] =	wrdreg $0xFFFFFFFF;
	(pc) =	sbr.abs _section_cstart, $3  }
0xc0: {  	[dreg:$0x1] =	wrdreg $0xFFFFFFFF  }
0xc1: {  	_ =	task.clear_ibuf [dreg:s6], $0x2FFFF;
	_ =	strace $0x9FFFFFFF  }
0xc2: {  	(tm) =	ssettm $0x7FFFFFFF  }
0xc3: {  	_ =	shalt  }
tec
execute0_lowered:
.L_overlay_start_1:
0x0: {  	(tag) =	ssettag $0x1  }
0x1: {  	s6 =	rddreg [dreg:$0x0]  }
0x2: {  	s2 =	rddreg [dreg:$0x1]  }
0x3: {  	s1 =	srdreg.scid;
	s0 =	rddreg [dreg:$0x2]  }
0x4: {  	s3 =	simm.s32 $0x0;
	s14 =	simm.s32 $0x80;
	s15 =	simm.s32 $0x5800  }
0x5: {  	s16 =	simm.s32 $0x1;
	s17 =	simm.s32 $0x5580;
	s7 =	sand.u32 $0x1, s1  }
0x6: {  	s18 =	simm.s32 $0x0;
	s1 =	stileid.u32;
	s5 =	smul.u32 $0x140000, s7  }
0x7: {  	[smem:$0x7FF] =	sst s3;
	s4 =	sshll.u32 s7, $0x4;
	s8 =	smul.u32 $0x14000, s1  }
0x8: {  	_ =	strace $0x8000004A;
	s10 =	smul.u32 $0x50000, s1;
	s31 =	ssub.s32 $0x2, s7  }
0x9: {  	s11 =	sshll.u32 s1, $0x6;
	s4 =	sor.u32 s1, s4;
	s7 =	sshrl.u32 s31, $0x1  }
0xa: {  	s9 =	smul.u32 $0x580, s4;
	s4 =	sadd.s32 $0x11200, s6;
	s5 =	sadd.s32 s8, s5  }
0xb: {  	s10 =	sshrl.u32 s10, $0x2;
	s12 =	ssub.s32 s31, s7;
	s30 =	sshrl.u32 s5, $0x3  }
0xc: {  	s5 =	sadd.s32 $0xEA00, s6;
	s13 =	sadd.s32 s10, s2;
	s10 =	smax.u32 s12, $0x1  }
0xd: {  	s12 =	simm.s32 $0x2;
	s29 =	sadd.s32 s9, s6;
	s9 =	sadd.s32 s30, s6  }
0xe: {  	s6 =	sor.u32 $0x1C02, s11;
	s11 =	sshrl.u32 s13, $0x3;
	s13 =	simm.s32 $0x2C00  }
0xf: {  	s7 =	sadd.s32 $0x61A00, s29;
	s8 =	sadd.s32 $0x3A00, s29;
	s9 =	sadd.s32 $0x6CA00, s9  }
.LBB2_1:
0x10: {  	[spmem:s11], [sflag:s6] =	dma.local [hbm:s5], $0x2800  }
0x11: {  	_ =	swait.ge [sflag:s12], $0x2800  }
0x12: {  	[sflag:s12] =	ssyncset.done $0x0  }
0x13: {  	[sflag:s12] =	ssyncadd.s32 $0xFFFFD800  }
0x14: {  	[tilespmem:s3], [sflag:$0x2] =	stream.linear.gather [hbm4b:s7+s3], $0x2A00, $0x38;
	[tilespmem:$0x1D800] =	vst v63  }
0x15: {  	_ =	swait.ge [sflag:s12], $0x2A00  }
0x16: {  	[sflag:s12] =	ssyncset.done $0x0  }
0x17: {  	[sflag:s12] =	ssyncadd.s32 $0xFFFFD600  }
0x18: {  	[tilespmem:s13], [sflag:$0x2] =	stream.linear.gather [hbm4b:s8+s3], $0x2A00, $0x38;
	[tilespmem:$0x1D800] =	vst v63  }
0x19: {  	_ =	swait.ge [sflag:s12], $0x2A00  }
0x1a: {  	[sflag:s12] =	ssyncset.done $0x0  }
0x1b: {  	[sflag:s12] =	ssyncadd.s32 $0xFFFFD600  }
0x1c: {  	[bflag:$0x0] =	sbarrier.arrive $0xFFFF  }
0x1d: {  	[tilespmem:s15], [sflag:$0x1] =	stream.indirect.gather [hbm4b:s4+s14], $0x80, s3, s14, $0xb8;
	[tilespmem:$0x1D800] =	vst v63  }
0x1e: {  	_ =	swait.ge [sflag:s16], $0x4000  }
0x1f: {  	[sflag:s16] =	ssyncset.done $0x0  }
0x20: {  	s19 =	simm.s32 $0x2C00;
	[sflag:s16] =	ssyncadd.s32 $0xFFFFC000  }
0x21: {  	[spmem:s2] =	stream.indirect.scatter.add.f32 [tilespmem:s15], [sflag:$0x2], $0x80, s19, s14, $0xb8;
	[tilespmem:$0x1D800] =	vst v63  }
0x22: {  	_ =	swait.ge [sflag:s12], $0x4000  }
0x23: {  	[sflag:s12] =	ssyncset.done $0x0  }
0x24: {  	s20 =	simm.s32 $0x80;
	s19 =	simm.s32 $0x200;
	[sflag:s12] =	ssyncadd.s32 $0xFFFFC000  }
.LBB2_2:
0x25: {  	[tilespmem:s15], [sflag:$0x1] =	stream.indirect.gather [hbm4b:s4+s14], $0x80, s20, s14, $0xb8;
	[tilespmem:$0x1D800] =	vst v63  }
0x26: {  	s20 =	smov.u32 s19  }
0x27: {  	p0 =	sne.s32 s19, $0xA400;
	s19 =	sadd.s32 $0x200, s19;
	_ =	swait.ge [sflag:s16], $0x4000  }
0x28: {  	s20 =	sshra.s32 s20, $0x2;
	[sflag:s16] =	ssyncset.done $0x0  }
.Ltmp0:
0x29: {  	s21 =	sadd.s32 $0x2C00, s20;
	[sflag:s16] =	ssyncadd.s32 $0xFFFFC000;
	(pc) =	sbr.rel @p0 .LBB2_2-.Ltmp0, $4  }
0x2a: {  	[spmem:s2] =	stream.indirect.scatter.add.f32 [tilespmem:s15], [sflag:$0x2], $0x80, s21, s14, $0xb8;
	[tilespmem:$0x1D800] =	vst v63  }
0x2b: {  	_ =	swait.ge [sflag:s12], $0x4000  }
0x2c: {  	[sflag:s12] =	ssyncset.done $0x0  }
0x2d: {  	s20 =	sadd.s32 $0x80, s20;
	[sflag:s12] =	ssyncadd.s32 $0xFFFFC000  }
0x2e: {  	[tilespmem:s15], [sflag:$0x1] =	stream.indirect.gather [hbm4b:s4+s14], $0x80, s20, s14, $0xb8;
	[tilespmem:$0x1D800] =	vst v63  }
0x2f: {  	_ =	swait.ge [sflag:s16], $0x4000  }
0x30: {  	[sflag:s16] =	ssyncset.done $0x0  }
0x31: {  	[sflag:s16] =	ssyncadd.s32 $0xFFFFC000  }
0x32: {  	[spmem:s2] =	stream.indirect.scatter.add.f32 [tilespmem:s15], [sflag:$0x2], $0x80, s17, s14, $0xb8;
	[tilespmem:$0x1D800] =	vst v63  }
0x33: {  	_ =	swait.ge [sflag:s12], $0x4000  }
0x34: {  	s18 =	sadd.s32 $0x1, s18;
	[sflag:s12] =	ssyncset.done $0x0  }
0x35: {  	p0 =	sne.s32 s18, s10;
	[sflag:s12] =	ssyncadd.s32 $0xFFFFC000  }
.Ltmp1:
0x36: {  	[bflag:$0x0] =	sbarrier.arrive $0xFFFF;
	(pc) =	sbr.rel @p0 .LBB2_1-.Ltmp1, $4  }
0x37: {  	[hbm:s9], [sflag:s6] =	dma.local [spmem:s11], $0x2800  }
0x38: {  	_ =	swait.ge [sflag:s12], $0x2800  }
0x39: {  	[sflag:s12] =	ssyncset.done $0x0  }
0x3a: {  	[sflag:s12] =	ssyncadd.s32 $0xFFFFD800  }
0x3b: {  	_ =	sfence.sel $0x180000  }
0x3c: {  	[bflag:$0x0] =	sbarrier.arrive $0xFFFF  }
0x3d: {  	p0 =	sne.s32 s1, $0x0;
	_ =	strace $0x9000004A  }
0x3e: {  	s0 =	sadd.s32 @!p0 $0x100000, s0;
	[bflag:$0x2] =	sbarrier.arrive $0xFFFF  }
0x3f: {  	[sflag:s0] =	ssyncadd.tile.s32 @!p0 $0x1;
	_ =	shalt  }
.Lfunc_end2:
_tile_overlayer_lowered:
.L_overlay_start_2:
0x40: {  	(tag) =	ssettag $0x2  }
0x41: {  	s0 =	rddreg [dreg:$0x0];
	s2 =	stileid.u32  }
0x42: {  	s1 =	rddreg [dreg:$0x1];
	p0 =	sne.s32 s2, $0x0  }
0x43: {  	s3 =	rddreg [dreg:$0x2];
	[bflag:$0x3] =	sbarrier.arrive $0xFFFF;
	s2 =	simm.s32 @!p0 $0x1C02  }
0x44: {  	[timem:s3], [sflag:s2] =	dma.local @!p0 [hbm:s0], s1  }
0x45: {  	s0 =	simm.s32 @!p0 $0x2  }
0x46: {  	_ =	swait.ge @!p0 [sflag:s0], s1  }
0x47: {  	s1 =	ssub.s32 @!p0 $0x0, s1;
	[sflag:s0] =	ssyncset.done @!p0 $0x0  }
0x48: {  	[sflag:s0] =	ssyncadd.s32 @!p0 s1  }
0x49: {  	[bflag:$0x3] =	sbarrier.arrive $0xFFFF  }
0x4a: {  	_ =	shalt  }

// kernel: kernel.16.cloned.1.call-start
scs
__scs_entry_jumppad:
0x0: {  	(pc) =	sbr.rel $0x88, $3  }
0x1: {  	(tag) =	ssettag $0x0;
	lr =	simm.s32 $0x1  }
0x2: {  	[smem:$0x3F94] =	sst lr;
	_ =	strace $0xD0000000  }
0x3: {  	_ = 	snop  }
0x4: {  	_ = 	snop  }
0x5: {  	_ = 	snop  }
0x6: {  	_ = 	snop  }
0x7: {  	_ = 	snop  }
__scs_overlays_trampoline_lowered:
0x8: {  	[smem:$0x3FA3] =	sst s0  }
0x9: {  	[smem:$0x3FA4] =	sst s1  }
0xa: {  	[smem:$0x3FA5] =	sst s2  }
0xb: {  	[smem:$0x3FA6] =	sst s3  }
0xc: {  	[smem:$0x3FA7] =	sst s4  }
0xd: {  	[smem:$0x3FA8] =	sst s5  }
0xe: {  	[smem:$0x3FA9] =	sst s6  }
0xf: {  	[smem:$0x3FAA] =	sst s7  }
0x10: {  	[smem:$0x3FAB] =	sst s8  }
0x11: {  	[smem:$0x3FAC] =	sst s9;
	s0 =	simm.s32 @!p0 $0x0  }
0x12: {  	s1 =	sld [smem:$0x3F92];
	s0 =	simm.s32 @p0 $0x1  }
0x13: {  	[smem:$0x3FAD] =	sst s0;
	s0 =	simm.s32 @!p1 $0x0  }
0x14: {  	s2 =	sld [smem:$0x3F91];
	s0 =	simm.s32 @p1 $0x1  }
0x15: {  	[smem:$0x3FAE] =	sst s0;
	s0 =	simm.s32 @!p2 $0x0  }
0x16: {  	s3 =	sld [smem:$0x3FDB];
	s0 =	simm.s32 @p2 $0x1  }
0x17: {  	s4 =	simm.s32 $0x1BF5;
	[smem:$0x3FB0] =	sst s0  }
0x18: {  	s0 =	sld [smem:$0x3F93];
	_ =	swait.ge [sflag:s4], $0x0  }
0x19: {  	s7 =	sld [smem:$0x3F94]  }
0x1a: {  	s8 =	sadd.s32 $0xFFFFE003, lr  }
0x1b: {  	s9 =	sadd.s32 $0xFFFFFEF7, lr;
	s5 =	simm.s32 $0xFFFFFFFF;
	p2 =	slt.u32 s8, $0xFFFFF086  }
0x1c: {  	p1 =	slt.u32 s9, $0xF7A;
	s5 =	simm.s32 @!p2 $0x0  }
0x1d: {  	s5 =	simm.s32 @p1 $0x1;
	p0 =	seq.s32 s7, s2  }
0x1e: {  	s7 =	smul.u32 @!p0 $0xF7A, s2;
	p2 =	seq.s32 @!p0 s5, $0x0  }
0x1f: {  	s9 =	smul.u32 $0xF7A, s1;
	s8 =	simm.s32 @!p0 $0x1BF5;
	p2 =	por !p2, p0  }
0x20: {  	[sflag:s8] =	ssyncset.s32 @!p0 $0xFFFFF086;
	s6 =	sadd.s32 @!p0 s3, s7;
	s7 =	simm.s32 @!p0 $0x108  }
0x21: {  	s3 =	sadd.s32 s3, s9;
	s6 =	sadd.s32 @!p0 $0x88, s6;
	s7 =	simm.s32 @p2 $0x1082  }
0x22: {  	[simem:s7], [sflag:s8] =	dma.local @!p0 [hbm:s6], $0xF7A  }
0x23: {  	s9 =	sor.u32 $0xD0000000, s2;
	s6 =	simm.s32 $0x108;
	_ =	swait.ge @!p0 [sflag:s8], $0x0  }
0x24: {  	s3 =	sadd.s32 $0x88, s3;
	s6 =	simm.s32 @!p1 $0x1082;
	[sflag:s4] =	ssyncset.s32 $0xFFFFF086  }
0x25: {  	[simem:s6], [sflag:s4] =	dma.local [hbm:s3], $0xF7A  }
0x26: {  	[smem:$0x3F94] =	sst s1;
	(tag) =	ssettag s2;
	_ =	strace s9  }
0x27: {  	s1 =	sld [smem:$0x3FA4]  }
0x28: {  	s2 =	sld [smem:$0x3FA5]  }
0x29: {  	s4 =	sld [smem:$0x3FA7]  }
0x2a: {  	p0 =	seq.s32 s5, $0x0;
	s5 =	sld [smem:$0x3FA8]  }
0x2b: {  	s6 =	sld [smem:$0x3FA9]  }
0x2c: {  	s7 =	sld [smem:$0x3FAA]  }
0x2d: {  	s3 =	simm.s32 $0x108;
	s8 =	sld [smem:$0x3FAB]  }
0x2e: {  	s3 =	simm.s32 @!p0 $0x1082;
	s9 =	sld [smem:$0x3FAC]  }
0x2f: {  	lr =	sadd.s32 s0, s3;
	s0 =	sld [smem:$0x3FA3]  }
0x30: {  	s3 =	sld [smem:$0x3FA6]  }
0x31: {  	[smem:$0x3FAF] =	sst s10  }
0x32: {  	s10 =	sld [smem:$0x3FAD];
	_ =	sdelay $0x3  }
0x33: {  	p0 =	seq.s32 s10, $0x1;
	s10 =	sld [smem:$0x3FAF];
	_ =	sdelay $0x3  }
0x34: {  	[smem:$0x3FAF] =	sst s10  }
0x35: {  	s10 =	sld [smem:$0x3FAE];
	_ =	sdelay $0x3  }
0x36: {  	p1 =	seq.s32 s10, $0x1;
	s10 =	sld [smem:$0x3FAF];
	_ =	sdelay $0x3  }
0x37: {  	[smem:$0x3FAF] =	sst s10  }
0x38: {  	s10 =	sld [smem:$0x3FB0]  }
0x39: {  	_ = 	snop;
	(pc) =	sbr.ind lr, $3  }
0x3a: {  	_ = 	snop  }
0x3b: {  	_ = 	snop  }
0x3c: {  	p2 =	seq.s32 s10, $0x1;
	s10 =	sld [smem:$0x3FAF]  }
0x3d: {  	_ =	shalt  }
0x3e: {  	_ =	shalt  }
0x3f: {  	_ =	shalt  }
0x40: {  	_ =	shalt  }
0x41: {  	_ =	shalt  }
0x42: {  	_ =	shalt  }
0x43: {  	_ =	shalt  }
0x44: {  	_ =	shalt  }
0x45: {  	_ =	shalt  }
0x46: {  	_ =	shalt  }
0x47: {  	_ =	shalt  }
0x48: {  	_ =	shalt  }
0x49: {  	_ =	shalt  }
0x4a: {  	_ =	shalt  }
0x4b: {  	_ =	shalt  }
0x4c: {  	_ =	shalt  }
0x4d: {  	_ =	shalt  }
0x4e: {  	_ =	shalt  }
0x4f: {  	_ =	shalt  }
0x50: {  	_ =	shalt  }
0x51: {  	_ =	shalt  }
0x52: {  	_ =	shalt  }
0x53: {  	_ =	shalt  }
0x54: {  	_ =	shalt  }
0x55: {  	_ =	shalt  }
0x56: {  	_ =	shalt  }
0x57: {  	_ =	shalt  }
0x58: {  	_ =	shalt  }
0x59: {  	_ =	shalt  }
0x5a: {  	_ =	shalt  }
0x5b: {  	_ =	shalt  }
0x5c: {  	_ =	shalt  }
0x5d: {  	_ =	shalt  }
0x5e: {  	_ =	shalt  }
0x5f: {  	_ =	shalt  }
0x60: {  	_ =	shalt  }
0x61: {  	_ =	shalt  }
0x62: {  	_ =	shalt  }
0x63: {  	_ =	shalt  }
0x64: {  	_ =	shalt  }
0x65: {  	_ =	shalt  }
0x66: {  	_ =	shalt  }
0x67: {  	_ =	shalt  }
0x68: {  	_ =	shalt  }
0x69: {  	_ =	shalt  }
0x6a: {  	_ =	shalt  }
0x6b: {  	_ =	shalt  }
0x6c: {  	_ =	shalt  }
0x6d: {  	_ =	shalt  }
0x6e: {  	_ =	shalt  }
0x6f: {  	_ =	shalt  }
0x70: {  	_ =	shalt  }
0x71: {  	_ =	shalt  }
0x72: {  	_ =	shalt  }
0x73: {  	_ =	shalt  }
0x74: {  	_ =	shalt  }
0x75: {  	_ =	shalt  }
0x76: {  	_ =	shalt  }
0x77: {  	_ =	shalt  }
0x78: {  	_ =	shalt  }
0x79: {  	_ =	shalt  }
0x7a: {  	_ =	shalt  }
0x7b: {  	_ =	shalt  }
0x7c: {  	_ =	shalt  }
0x7d: {  	_ =	shalt  }
0x7e: {  	_ =	shalt  }
0x7f: {  	_ =	shalt  }
0x80: {  	_ =	shalt  }
0x81: {  	_ =	shalt  }
0x82: {  	_ =	shalt  }
0x83: {  	_ =	shalt  }
0x84: {  	_ =	shalt  }
0x85: {  	_ =	shalt  }
0x86: {  	_ =	shalt  }
0x87: {  	_ =	shalt  }
.Lfunc_end0:
.L_simem_size_0:
called_computation.2_lowered:
.L_overlay_start_0:
0x88: {  	s2 =	sld [smem:$0x3FD9]  }
0x89: {  	s3 =	sld [smem:$0x3FFE];
	_ =	sdelay $0x1  }
0x8a: {  	s1 =	srdreg.scid  }
0x8b: {  	s0 =	sand.u32 $0x1, s1  }
0x8c: {  	s16 =	sshll.u32 s0, $0xA;
	s2 =	sadd.s32 s3, s2  }
0x8d: {  	s2 =	sadd.s32 s2, s16  }
0x8e: {  	[smem:$0x3FBB] =	sst s2  }
0x8f: {  	_ = 	snop  }
0x90: {  	(tm) =	ssettm $0x1  }
0x91: {  	s17 =	sld [smem:$0x3FFB];
	_ =	sdelay $0x3  }
0x92: {  	_ =	strace s17  }
0x93: {  	s2 =	sld [smem:$0x3FFC];
	_ =	sdelay $0x3  }
0x94: {  	_ =	strace s2  }
0x95: {  	s2 =	sld [smem:$0x3FFD];
	_ =	sdelay $0x3  }
0x96: {  	_ =	strace s2  }
0x97: {  	_ =	strace $0x8FFFFFFF  }
0x98: {  	s18 =	sld [smem:$0x3FDB];
	_ =	sdelay $0x1  }
0x99: {  	s19 =	simm.s32 $_scs_section_size  }
0x9a: {  	s4 =	simm.s32 $_size__tile_overlayer_lowered;
	s5 =	simm.s32 $_tile_overlayer_lowered  }
0x9b: {  	s22 =	simm.s32 $0x1BFF;
	s21 =	sshll.u32 s5, $0x1;
	s2 =	sadd.s32 s19, s18  }
0x9c: {  	s6 =	simm.s32 $0x0;
	s20 =	sshll.u32 s4, $0x1;
	s4 =	sadd.s32 s21, s2  }
0x9d: {  	[timem:s6], [sflag:s22] =	dma.local [hbm:s4], s20  }
0x9e: {  	_ =	swait.ge [sflag:s22], s20  }
0x9f: {  	s3 =	ssub.s32 $0x0, s20;
	[sflag:s22] =	ssyncset.done $0x0  }
0xa0: {  	[sflag:s22] =	ssyncadd.s32 s3;
	_ =	sdelay $0x1  }
0xa1: {  	s23 =	simm.s32 $0x1B8B  }
0xa2: {  	_ =	swait.ge [sflag:s23], $0x1  }
0xa3: {  	[sflag:s23] =	ssyncset.done $0x0  }
0xa4: {  	s25 =	simm.s32 $0x1B8E;
	s24 =	sld [smem:$0x3FFE];
	[sflag:s23] =	ssyncadd.s32 $0xFFFFFFFF  }
0xa5: {  	s26 =	simm.s32 $execute0_lowered;
	[smem:$0x3FD2] =	sst s25  }
0xa6: {  	s4 =	sshll.u32 s26, $0x1;
	_ =	strace $0x8000004C;
	[dreg:$0x1] =	wrdreg $0xFFFFFFFF  }
0xa7: {  	s28 =	simm.s32 $_size_execute0_lowered;
	s2 =	sadd.s32 s2, s4;
	[dreg:$0x0] =	wrdreg $0x0  }
0xa8: {  	s4 =	sshll.u32 s28, $0x1;
	[dreg:$0x2] =	wrdreg s2  }
0xa9: {  	[dreg:$0x3] =	wrdreg s4  }
0xaa: {  	[dreg:$0x4] =	wrdreg $0xC0  }
0xab: {  	_ =	task [dreg:s6], $0x5FFFF  }
0xac: {  	[dreg:$0x1] =	wrdreg $0xFFFFFFFF  }
0xad: {  	[dreg:$0x0] =	wrdreg $0x60  }
0xae: {  	[dreg:$0x2] =	wrdreg s24  }
0xaf: {  	[dreg:$0x3] =	wrdreg $0x98000  }
0xb0: {  	[dreg:$0x4] =	wrdreg $0x9  }
0xb1: {  	_ =	task.clear_ibuf [dreg:s6], $0x5FFFF;
	_ =	strace $0x9000004C  }
0xb2: {  	s29 =	simm.s32 $0x9;
	_ =	strace $0x8000004E  }
0xb3: {  	_ =	swait.ge [sflag:s29], $0x1  }
0xb4: {  	[sflag:s29] =	ssyncadd.s32 $0xFFFFFFFF  }
0xb5: {  	_ =	strace $0x9000004E  }
0xb6: {  	_ =	sfence  }
0xb7: {  	s30 =	sld [smem:$0x0];
	_ =	sdelay $0x2  }
0xb8: {  	s31 =	sshll.u32 s1, $0xD;
	s1 =	sshrl.u32 s1, $0x2  }
0xb9: {  	s3 =	sand.u32 $0x4000, s31;
	s1 =	sadd.s32 s1, s30  }
0xba: {  	s0 =	sor.u32 s3, s0;
	s1 =	sshll.u32 s1, $0x11  }
0xbb: {  	s0 =	sor.u32 s1, s0  }
0xbc: {  	s0 =	sadd.s32 $0x8F2B, s0  }
0xbd: {  	[sflag:s0] =	ssyncadd.remote.s32 $0x1  }
0xbe: {  	_ =	sfence.sel $0xFFFF  }
0xbf: {  	[dreg:$0x0] =	wrdreg $0xFFFFFFFF;
	(pc) =	sbr.abs _section_cstart, $3  }
0xc0: {  	[dreg:$0x1] =	wrdreg $0xFFFFFFFF  }
0xc1: {  	_ =	task.clear_ibuf [dreg:s6], $0x2FFFF;
	_ =	strace $0x9FFFFFFF  }
0xc2: {  	(tm) =	ssettm $0x7FFFFFFF  }
0xc3: {  	_ =	shalt  }
tec
execute0_lowered:
.L_overlay_start_1:
0x0: {  	(tag) =	ssettag $0x1  }
0x1: {  	s6 =	rddreg [dreg:$0x0]  }
0x2: {  	s2 =	rddreg [dreg:$0x1]  }
0x3: {  	s1 =	srdreg.scid;
	s0 =	rddreg [dreg:$0x2]  }
0x4: {  	s3 =	simm.s32 $0x0;
	s14 =	simm.s32 $0x80;
	s15 =	simm.s32 $0x5800  }
0x5: {  	s16 =	simm.s32 $0x1;
	s17 =	simm.s32 $0x5580;
	s7 =	sand.u32 $0x1, s1  }
0x6: {  	s18 =	simm.s32 $0x0;
	s1 =	stileid.u32;
	s5 =	smul.u32 $0x140000, s7  }
0x7: {  	[smem:$0x7FF] =	sst s3;
	s4 =	sshll.u32 s7, $0x4;
	s8 =	smul.u32 $0x14000, s1  }
0x8: {  	_ =	strace $0x8000004D;
	s10 =	smul.u32 $0x50000, s1;
	s31 =	ssub.s32 $0x2, s7  }
0x9: {  	s11 =	sshll.u32 s1, $0x6;
	s4 =	sor.u32 s1, s4;
	s7 =	sshrl.u32 s31, $0x1  }
0xa: {  	s9 =	smul.u32 $0x580, s4;
	s4 =	sadd.s32 $0x11200, s6;
	s5 =	sadd.s32 s8, s5  }
0xb: {  	s10 =	sshrl.u32 s10, $0x2;
	s12 =	ssub.s32 s31, s7;
	s30 =	sshrl.u32 s5, $0x3  }
0xc: {  	s5 =	sadd.s32 $0xEA00, s6;
	s13 =	sadd.s32 s10, s2;
	s10 =	smax.u32 s12, $0x1  }
0xd: {  	s12 =	simm.s32 $0x2;
	s29 =	sadd.s32 s9, s6;
	s9 =	sadd.s32 s30, s6  }
0xe: {  	s6 =	sor.u32 $0x1C02, s11;
	s11 =	sshrl.u32 s13, $0x3;
	s13 =	simm.s32 $0x2C00  }
0xf: {  	s7 =	sadd.s32 $0x61A00, s29;
	s8 =	sadd.s32 $0x3A00, s29;
	s9 =	sadd.s32 $0x6CA00, s9  }
.LBB2_1:
0x10: {  	[spmem:s11], [sflag:s6] =	dma.local [hbm:s5], $0x2800  }
0x11: {  	_ =	swait.ge [sflag:s12], $0x2800  }
0x12: {  	[sflag:s12] =	ssyncset.done $0x0  }
0x13: {  	[sflag:s12] =	ssyncadd.s32 $0xFFFFD800  }
0x14: {  	[tilespmem:s3], [sflag:$0x2] =	stream.linear.gather [hbm4b:s7+s3], $0x2A00, $0x38;
	[tilespmem:$0x1D800] =	vst v63  }
0x15: {  	_ =	swait.ge [sflag:s12], $0x2A00  }
0x16: {  	[sflag:s12] =	ssyncset.done $0x0  }
0x17: {  	[sflag:s12] =	ssyncadd.s32 $0xFFFFD600  }
0x18: {  	[tilespmem:s13], [sflag:$0x2] =	stream.linear.gather [hbm4b:s8+s3], $0x2A00, $0x38;
	[tilespmem:$0x1D800] =	vst v63  }
0x19: {  	_ =	swait.ge [sflag:s12], $0x2A00  }
0x1a: {  	[sflag:s12] =	ssyncset.done $0x0  }
0x1b: {  	[sflag:s12] =	ssyncadd.s32 $0xFFFFD600  }
0x1c: {  	[bflag:$0x0] =	sbarrier.arrive $0xFFFF  }
0x1d: {  	[tilespmem:s15], [sflag:$0x1] =	stream.indirect.gather [hbm4b:s4+s14], $0x80, s3, s14, $0xb8;
	[tilespmem:$0x1D800] =	vst v63  }
0x1e: {  	_ =	swait.ge [sflag:s16], $0x4000  }
0x1f: {  	[sflag:s16] =	ssyncset.done $0x0  }
0x20: {  	s19 =	simm.s32 $0x2C00;
	[sflag:s16] =	ssyncadd.s32 $0xFFFFC000  }
0x21: {  	[spmem:s2] =	stream.indirect.scatter.add.f32 [tilespmem:s15], [sflag:$0x2], $0x80, s19, s14, $0xb8;
	[tilespmem:$0x1D800] =	vst v63  }
0x22: {  	_ =	swait.ge [sflag:s12], $0x4000  }
0x23: {  	[sflag:s12] =	ssyncset.done $0x0  }
0x24: {  	s20 =	simm.s32 $0x80;
	s19 =	simm.s32 $0x200;
	[sflag:s12] =	ssyncadd.s32 $0xFFFFC000  }
.LBB2_2:
0x25: {  	[tilespmem:s15], [sflag:$0x1] =	stream.indirect.gather [hbm4b:s4+s14], $0x80, s20, s14, $0xb8;
	[tilespmem:$0x1D800] =	vst v63  }
0x26: {  	s20 =	smov.u32 s19  }
0x27: {  	p0 =	sne.s32 s19, $0xA400;
	s19 =	sadd.s32 $0x200, s19;
	_ =	swait.ge [sflag:s16], $0x4000  }
0x28: {  	s20 =	sshra.s32 s20, $0x2;
	[sflag:s16] =	ssyncset.done $0x0  }
.Ltmp0:
0x29: {  	s21 =	sadd.s32 $0x2C00, s20;
	[sflag:s16] =	ssyncadd.s32 $0xFFFFC000;
	(pc) =	sbr.rel @p0 .LBB2_2-.Ltmp0, $4  }
0x2a: {  	[spmem:s2] =	stream.indirect.scatter.add.f32 [tilespmem:s15], [sflag:$0x2], $0x80, s21, s14, $0xb8;
	[tilespmem:$0x1D800] =	vst v63  }
0x2b: {  	_ =	swait.ge [sflag:s12], $0x4000  }
0x2c: {  	[sflag:s12] =	ssyncset.done $0x0  }
0x2d: {  	s20 =	sadd.s32 $0x80, s20;
	[sflag:s12] =	ssyncadd.s32 $0xFFFFC000  }
0x2e: {  	[tilespmem:s15], [sflag:$0x1] =	stream.indirect.gather [hbm4b:s4+s14], $0x80, s20, s14, $0xb8;
	[tilespmem:$0x1D800] =	vst v63  }
0x2f: {  	_ =	swait.ge [sflag:s16], $0x4000  }
0x30: {  	[sflag:s16] =	ssyncset.done $0x0  }
0x31: {  	[sflag:s16] =	ssyncadd.s32 $0xFFFFC000  }
0x32: {  	[spmem:s2] =	stream.indirect.scatter.add.f32 [tilespmem:s15], [sflag:$0x2], $0x80, s17, s14, $0xb8;
	[tilespmem:$0x1D800] =	vst v63  }
0x33: {  	_ =	swait.ge [sflag:s12], $0x4000  }
0x34: {  	s18 =	sadd.s32 $0x1, s18;
	[sflag:s12] =	ssyncset.done $0x0  }
0x35: {  	p0 =	sne.s32 s18, s10;
	[sflag:s12] =	ssyncadd.s32 $0xFFFFC000  }
.Ltmp1:
0x36: {  	[bflag:$0x0] =	sbarrier.arrive $0xFFFF;
	(pc) =	sbr.rel @p0 .LBB2_1-.Ltmp1, $4  }
0x37: {  	[hbm:s9], [sflag:s6] =	dma.local [spmem:s11], $0x2800  }
0x38: {  	_ =	swait.ge [sflag:s12], $0x2800  }
0x39: {  	[sflag:s12] =	ssyncset.done $0x0  }
0x3a: {  	[sflag:s12] =	ssyncadd.s32 $0xFFFFD800  }
0x3b: {  	_ =	sfence.sel $0x180000  }
0x3c: {  	[bflag:$0x0] =	sbarrier.arrive $0xFFFF  }
0x3d: {  	p0 =	sne.s32 s1, $0x0;
	_ =	strace $0x9000004D  }
0x3e: {  	s0 =	sadd.s32 @!p0 $0x100000, s0;
	[bflag:$0x2] =	sbarrier.arrive $0xFFFF  }
0x3f: {  	[sflag:s0] =	ssyncadd.tile.s32 @!p0 $0x1;
	_ =	shalt  }
.Lfunc_end2:
_tile_overlayer_lowered:
.L_overlay_start_2:
0x40: {  	(tag) =	ssettag $0x2  }
0x41: {  	s0 =	rddreg [dreg:$0x0];
	s2 =	stileid.u32  }
0x42: {  	s1 =	rddreg [dreg:$0x1];
	p0 =	sne.s32 s2, $0x0  }
0x43: {  	s3 =	rddreg [dreg:$0x2];
	[bflag:$0x3] =	sbarrier.arrive $0xFFFF;
	s2 =	simm.s32 @!p0 $0x1C02  }
0x44: {  	[timem:s3], [sflag:s2] =	dma.local @!p0 [hbm:s0], s1  }
0x45: {  	s0 =	simm.s32 @!p0 $0x2  }
0x46: {  	_ =	swait.ge @!p0 [sflag:s0], s1  }
0x47: {  	s1 =	ssub.s32 @!p0 $0x0, s1;
	[sflag:s0] =	ssyncset.done @!p0 $0x0  }
0x48: {  	[sflag:s0] =	ssyncadd.s32 @!p0 s1  }
0x49: {  	[bflag:$0x3] =	sbarrier.arrive $0xFFFF  }
0x4a: {  	_ =	shalt  }

// kernel: kernel.19.cloned.1.call-start
scs
__scs_entry_jumppad:
0x0: {  	(pc) =	sbr.rel $0x88, $3  }
0x1: {  	(tag) =	ssettag $0x0;
	lr =	simm.s32 $0x1  }
0x2: {  	[smem:$0x3F94] =	sst lr;
	_ =	strace $0xD0000000  }
0x3: {  	_ = 	snop  }
0x4: {  	_ = 	snop  }
0x5: {  	_ = 	snop  }
0x6: {  	_ = 	snop  }
0x7: {  	_ = 	snop  }
__scs_overlays_trampoline_lowered:
0x8: {  	[smem:$0x3FA3] =	sst s0  }
0x9: {  	[smem:$0x3FA4] =	sst s1  }
0xa: {  	[smem:$0x3FA5] =	sst s2  }
0xb: {  	[smem:$0x3FA6] =	sst s3  }
0xc: {  	[smem:$0x3FA7] =	sst s4  }
0xd: {  	[smem:$0x3FA8] =	sst s5  }
0xe: {  	[smem:$0x3FA9] =	sst s6  }
0xf: {  	[smem:$0x3FAA] =	sst s7  }
0x10: {  	[smem:$0x3FAB] =	sst s8  }
0x11: {  	[smem:$0x3FAC] =	sst s9;
	s0 =	simm.s32 @!p0 $0x0  }
0x12: {  	s1 =	sld [smem:$0x3F92];
	s0 =	simm.s32 @p0 $0x1  }
0x13: {  	[smem:$0x3FAD] =	sst s0;
	s0 =	simm.s32 @!p1 $0x0  }
0x14: {  	s2 =	sld [smem:$0x3F91];
	s0 =	simm.s32 @p1 $0x1  }
0x15: {  	[smem:$0x3FAE] =	sst s0;
	s0 =	simm.s32 @!p2 $0x0  }
0x16: {  	s3 =	sld [smem:$0x3FDB];
	s0 =	simm.s32 @p2 $0x1  }
0x17: {  	s4 =	simm.s32 $0x1BF5;
	[smem:$0x3FB0] =	sst s0  }
0x18: {  	s0 =	sld [smem:$0x3F93];
	_ =	swait.ge [sflag:s4], $0x0  }
0x19: {  	s7 =	sld [smem:$0x3F94]  }
0x1a: {  	s8 =	sadd.s32 $0xFFFFE003, lr  }
0x1b: {  	s9 =	sadd.s32 $0xFFFFFEF7, lr;
	s5 =	simm.s32 $0xFFFFFFFF;
	p2 =	slt.u32 s8, $0xFFFFF086  }
0x1c: {  	p1 =	slt.u32 s9, $0xF7A;
	s5 =	simm.s32 @!p2 $0x0  }
0x1d: {  	s5 =	simm.s32 @p1 $0x1;
	p0 =	seq.s32 s7, s2  }
0x1e: {  	s7 =	smul.u32 @!p0 $0xF7A, s2;
	p2 =	seq.s32 @!p0 s5, $0x0  }
0x1f: {  	s9 =	smul.u32 $0xF7A, s1;
	s8 =	simm.s32 @!p0 $0x1BF5;
	p2 =	por !p2, p0  }
0x20: {  	[sflag:s8] =	ssyncset.s32 @!p0 $0xFFFFF086;
	s6 =	sadd.s32 @!p0 s3, s7;
	s7 =	simm.s32 @!p0 $0x108  }
0x21: {  	s3 =	sadd.s32 s3, s9;
	s6 =	sadd.s32 @!p0 $0x88, s6;
	s7 =	simm.s32 @p2 $0x1082  }
0x22: {  	[simem:s7], [sflag:s8] =	dma.local @!p0 [hbm:s6], $0xF7A  }
0x23: {  	s9 =	sor.u32 $0xD0000000, s2;
	s6 =	simm.s32 $0x108;
	_ =	swait.ge @!p0 [sflag:s8], $0x0  }
0x24: {  	s3 =	sadd.s32 $0x88, s3;
	s6 =	simm.s32 @!p1 $0x1082;
	[sflag:s4] =	ssyncset.s32 $0xFFFFF086  }
0x25: {  	[simem:s6], [sflag:s4] =	dma.local [hbm:s3], $0xF7A  }
0x26: {  	[smem:$0x3F94] =	sst s1;
	(tag) =	ssettag s2;
	_ =	strace s9  }
0x27: {  	s1 =	sld [smem:$0x3FA4]  }
0x28: {  	s2 =	sld [smem:$0x3FA5]  }
0x29: {  	s4 =	sld [smem:$0x3FA7]  }
0x2a: {  	p0 =	seq.s32 s5, $0x0;
	s5 =	sld [smem:$0x3FA8]  }
0x2b: {  	s6 =	sld [smem:$0x3FA9]  }
0x2c: {  	s7 =	sld [smem:$0x3FAA]  }
0x2d: {  	s3 =	simm.s32 $0x108;
	s8 =	sld [smem:$0x3FAB]  }
0x2e: {  	s3 =	simm.s32 @!p0 $0x1082;
	s9 =	sld [smem:$0x3FAC]  }
0x2f: {  	lr =	sadd.s32 s0, s3;
	s0 =	sld [smem:$0x3FA3]  }
0x30: {  	s3 =	sld [smem:$0x3FA6]  }
0x31: {  	[smem:$0x3FAF] =	sst s10  }
0x32: {  	s10 =	sld [smem:$0x3FAD];
	_ =	sdelay $0x3  }
0x33: {  	p0 =	seq.s32 s10, $0x1;
	s10 =	sld [smem:$0x3FAF];
	_ =	sdelay $0x3  }
0x34: {  	[smem:$0x3FAF] =	sst s10  }
0x35: {  	s10 =	sld [smem:$0x3FAE];
	_ =	sdelay $0x3  }
0x36: {  	p1 =	seq.s32 s10, $0x1;
	s10 =	sld [smem:$0x3FAF];
	_ =	sdelay $0x3  }
0x37: {  	[smem:$0x3FAF] =	sst s10  }
0x38: {  	s10 =	sld [smem:$0x3FB0]  }
0x39: {  	_ = 	snop;
	(pc) =	sbr.ind lr, $3  }
0x3a: {  	_ = 	snop  }
0x3b: {  	_ = 	snop  }
0x3c: {  	p2 =	seq.s32 s10, $0x1;
	s10 =	sld [smem:$0x3FAF]  }
0x3d: {  	_ =	shalt  }
0x3e: {  	_ =	shalt  }
0x3f: {  	_ =	shalt  }
0x40: {  	_ =	shalt  }
0x41: {  	_ =	shalt  }
0x42: {  	_ =	shalt  }
0x43: {  	_ =	shalt  }
0x44: {  	_ =	shalt  }
0x45: {  	_ =	shalt  }
0x46: {  	_ =	shalt  }
0x47: {  	_ =	shalt  }
0x48: {  	_ =	shalt  }
0x49: {  	_ =	shalt  }
0x4a: {  	_ =	shalt  }
0x4b: {  	_ =	shalt  }
0x4c: {  	_ =	shalt  }
0x4d: {  	_ =	shalt  }
0x4e: {  	_ =	shalt  }
0x4f: {  	_ =	shalt  }
0x50: {  	_ =	shalt  }
0x51: {  	_ =	shalt  }
0x52: {  	_ =	shalt  }
0x53: {  	_ =	shalt  }
0x54: {  	_ =	shalt  }
0x55: {  	_ =	shalt  }
0x56: {  	_ =	shalt  }
0x57: {  	_ =	shalt  }
0x58: {  	_ =	shalt  }
0x59: {  	_ =	shalt  }
0x5a: {  	_ =	shalt  }
0x5b: {  	_ =	shalt  }
0x5c: {  	_ =	shalt  }
0x5d: {  	_ =	shalt  }
0x5e: {  	_ =	shalt  }
0x5f: {  	_ =	shalt  }
0x60: {  	_ =	shalt  }
0x61: {  	_ =	shalt  }
0x62: {  	_ =	shalt  }
0x63: {  	_ =	shalt  }
0x64: {  	_ =	shalt  }
0x65: {  	_ =	shalt  }
0x66: {  	_ =	shalt  }
0x67: {  	_ =	shalt  }
0x68: {  	_ =	shalt  }
0x69: {  	_ =	shalt  }
0x6a: {  	_ =	shalt  }
0x6b: {  	_ =	shalt  }
0x6c: {  	_ =	shalt  }
0x6d: {  	_ =	shalt  }
0x6e: {  	_ =	shalt  }
0x6f: {  	_ =	shalt  }
0x70: {  	_ =	shalt  }
0x71: {  	_ =	shalt  }
0x72: {  	_ =	shalt  }
0x73: {  	_ =	shalt  }
0x74: {  	_ =	shalt  }
0x75: {  	_ =	shalt  }
0x76: {  	_ =	shalt  }
0x77: {  	_ =	shalt  }
0x78: {  	_ =	shalt  }
0x79: {  	_ =	shalt  }
0x7a: {  	_ =	shalt  }
0x7b: {  	_ =	shalt  }
0x7c: {  	_ =	shalt  }
0x7d: {  	_ =	shalt  }
0x7e: {  	_ =	shalt  }
0x7f: {  	_ =	shalt  }
0x80: {  	_ =	shalt  }
0x81: {  	_ =	shalt  }
0x82: {  	_ =	shalt  }
0x83: {  	_ =	shalt  }
0x84: {  	_ =	shalt  }
0x85: {  	_ =	shalt  }
0x86: {  	_ =	shalt  }
0x87: {  	_ =	shalt  }
.Lfunc_end0:
.L_simem_size_0:
called_computation.3_lowered:
.L_overlay_start_0:
0x88: {  	s2 =	sld [smem:$0x3FD9]  }
0x89: {  	s3 =	sld [smem:$0x3FFE];
	_ =	sdelay $0x1  }
0x8a: {  	s1 =	srdreg.scid  }
0x8b: {  	s0 =	sand.u32 $0x1, s1  }
0x8c: {  	s16 =	sshll.u32 s0, $0xA;
	s2 =	sadd.s32 s3, s2  }
0x8d: {  	s2 =	sadd.s32 s2, s16  }
0x8e: {  	[smem:$0x3FBB] =	sst s2  }
0x8f: {  	_ = 	snop  }
0x90: {  	(tm) =	ssettm $0x1  }
0x91: {  	s17 =	sld [smem:$0x3FFB];
	_ =	sdelay $0x3  }
0x92: {  	_ =	strace s17  }
0x93: {  	s2 =	sld [smem:$0x3FFC];
	_ =	sdelay $0x3  }
0x94: {  	_ =	strace s2  }
0x95: {  	s2 =	sld [smem:$0x3FFD];
	_ =	sdelay $0x3  }
0x96: {  	_ =	strace s2  }
0x97: {  	_ =	strace $0x8FFFFFFF  }
0x98: {  	s18 =	sld [smem:$0x3FDB];
	_ =	sdelay $0x1  }
0x99: {  	s19 =	simm.s32 $_scs_section_size  }
0x9a: {  	s4 =	simm.s32 $_size__tile_overlayer_lowered;
	s5 =	simm.s32 $_tile_overlayer_lowered  }
0x9b: {  	s22 =	simm.s32 $0x1BFF;
	s21 =	sshll.u32 s5, $0x1;
	s2 =	sadd.s32 s19, s18  }
0x9c: {  	s6 =	simm.s32 $0x0;
	s20 =	sshll.u32 s4, $0x1;
	s4 =	sadd.s32 s21, s2  }
0x9d: {  	[timem:s6], [sflag:s22] =	dma.local [hbm:s4], s20  }
0x9e: {  	_ =	swait.ge [sflag:s22], s20  }
0x9f: {  	s3 =	ssub.s32 $0x0, s20;
	[sflag:s22] =	ssyncset.done $0x0  }
0xa0: {  	[sflag:s22] =	ssyncadd.s32 s3;
	_ =	sdelay $0x1  }
0xa1: {  	s23 =	simm.s32 $0x1B8B  }
0xa2: {  	_ =	swait.ge [sflag:s23], $0x1  }
0xa3: {  	[sflag:s23] =	ssyncset.done $0x0  }
0xa4: {  	s25 =	simm.s32 $0x1B8E;
	s24 =	sld [smem:$0x3FFE];
	[sflag:s23] =	ssyncadd.s32 $0xFFFFFFFF  }
0xa5: {  	s26 =	simm.s32 $execute0_lowered;
	[smem:$0x3FD2] =	sst s25  }
0xa6: {  	s4 =	sshll.u32 s26, $0x1;
	_ =	strace $0x8000004F;
	[dreg:$0x1] =	wrdreg $0xFFFFFFFF  }
0xa7: {  	s28 =	simm.s32 $_size_execute0_lowered;
	s2 =	sadd.s32 s2, s4;
	[dreg:$0x0] =	wrdreg $0x0  }
0xa8: {  	s4 =	sshll.u32 s28, $0x1;
	[dreg:$0x2] =	wrdreg s2  }
0xa9: {  	[dreg:$0x3] =	wrdreg s4  }
0xaa: {  	[dreg:$0x4] =	wrdreg $0xC0  }
0xab: {  	_ =	task [dreg:s6], $0x5FFFF  }
0xac: {  	[dreg:$0x1] =	wrdreg $0xFFFFFFFF  }
0xad: {  	[dreg:$0x0] =	wrdreg $0x60  }
0xae: {  	[dreg:$0x2] =	wrdreg s24  }
0xaf: {  	[dreg:$0x3] =	wrdreg $0x98000  }
0xb0: {  	[dreg:$0x4] =	wrdreg $0x9  }
0xb1: {  	_ =	task.clear_ibuf [dreg:s6], $0x5FFFF;
	_ =	strace $0x9000004F  }
0xb2: {  	s29 =	simm.s32 $0x9;
	_ =	strace $0x80000051  }
0xb3: {  	_ =	swait.ge [sflag:s29], $0x1  }
0xb4: {  	[sflag:s29] =	ssyncadd.s32 $0xFFFFFFFF  }
0xb5: {  	_ =	strace $0x90000051  }
0xb6: {  	_ =	sfence  }
0xb7: {  	s30 =	sld [smem:$0x0];
	_ =	sdelay $0x2  }
0xb8: {  	s31 =	sshll.u32 s1, $0xD;
	s1 =	sshrl.u32 s1, $0x2  }
0xb9: {  	s3 =	sand.u32 $0x4000, s31;
	s1 =	sadd.s32 s1, s30  }
0xba: {  	s0 =	sor.u32 s3, s0;
	s1 =	sshll.u32 s1, $0x11  }
0xbb: {  	s0 =	sor.u32 s1, s0  }
0xbc: {  	s0 =	sadd.s32 $0x8F2B, s0  }
0xbd: {  	[sflag:s0] =	ssyncadd.remote.s32 $0x1  }
0xbe: {  	_ =	sfence.sel $0xFFFF  }
0xbf: {  	[dreg:$0x0] =	wrdreg $0xFFFFFFFF;
	(pc) =	sbr.abs _section_cstart, $3  }
0xc0: {  	[dreg:$0x1] =	wrdreg $0xFFFFFFFF  }
0xc1: {  	_ =	task.clear_ibuf [dreg:s6], $0x2FFFF;
	_ =	strace $0x9FFFFFFF  }
0xc2: {  	(tm) =	ssettm $0x7FFFFFFF  }
0xc3: {  	_ =	shalt  }
tec
execute0_lowered:
.L_overlay_start_1:
0x0: {  	(tag) =	ssettag $0x1  }
0x1: {  	s6 =	rddreg [dreg:$0x0]  }
0x2: {  	s2 =	rddreg [dreg:$0x1]  }
0x3: {  	s1 =	srdreg.scid;
	s0 =	rddreg [dreg:$0x2]  }
0x4: {  	s3 =	simm.s32 $0x0;
	s14 =	simm.s32 $0x80;
	s15 =	simm.s32 $0x5800  }
0x5: {  	s16 =	simm.s32 $0x1;
	s17 =	simm.s32 $0x5580;
	s7 =	sand.u32 $0x1, s1  }
0x6: {  	s18 =	simm.s32 $0x0;
	s1 =	stileid.u32;
	s5 =	smul.u32 $0x140000, s7  }
0x7: {  	[smem:$0x7FF] =	sst s3;
	s4 =	sshll.u32 s7, $0x4;
	s8 =	smul.u32 $0x14000, s1  }
0x8: {  	_ =	strace $0x80000050;
	s10 =	smul.u32 $0x50000, s1;
	s31 =	ssub.s32 $0x2, s7  }
0x9: {  	s11 =	sshll.u32 s1, $0x6;
	s4 =	sor.u32 s1, s4;
	s7 =	sshrl.u32 s31, $0x1  }
0xa: {  	s9 =	smul.u32 $0x580, s4;
	s4 =	sadd.s32 $0x11200, s6;
	s5 =	sadd.s32 s8, s5  }
0xb: {  	s10 =	sshrl.u32 s10, $0x2;
	s12 =	ssub.s32 s31, s7;
	s30 =	sshrl.u32 s5, $0x3  }
0xc: {  	s5 =	sadd.s32 $0xEA00, s6;
	s13 =	sadd.s32 s10, s2;
	s10 =	smax.u32 s12, $0x1  }
0xd: {  	s12 =	simm.s32 $0x2;
	s29 =	sadd.s32 s9, s6;
	s9 =	sadd.s32 s30, s6  }
0xe: {  	s6 =	sor.u32 $0x1C02, s11;
	s11 =	sshrl.u32 s13, $0x3;
	s13 =	simm.s32 $0x2C00  }
0xf: {  	s7 =	sadd.s32 $0x61A00, s29;
	s8 =	sadd.s32 $0x3A00, s29;
	s9 =	sadd.s32 $0x6CA00, s9  }
.LBB2_1:
0x10: {  	[spmem:s11], [sflag:s6] =	dma.local [hbm:s5], $0x2800  }
0x11: {  	_ =	swait.ge [sflag:s12], $0x2800  }
0x12: {  	[sflag:s12] =	ssyncset.done $0x0  }
0x13: {  	[sflag:s12] =	ssyncadd.s32 $0xFFFFD800  }
0x14: {  	[tilespmem:s3], [sflag:$0x2] =	stream.linear.gather [hbm4b:s7+s3], $0x2A00, $0x38;
	[tilespmem:$0x1D800] =	vst v63  }
0x15: {  	_ =	swait.ge [sflag:s12], $0x2A00  }
0x16: {  	[sflag:s12] =	ssyncset.done $0x0  }
0x17: {  	[sflag:s12] =	ssyncadd.s32 $0xFFFFD600  }
0x18: {  	[tilespmem:s13], [sflag:$0x2] =	stream.linear.gather [hbm4b:s8+s3], $0x2A00, $0x38;
	[tilespmem:$0x1D800] =	vst v63  }
0x19: {  	_ =	swait.ge [sflag:s12], $0x2A00  }
0x1a: {  	[sflag:s12] =	ssyncset.done $0x0  }
0x1b: {  	[sflag:s12] =	ssyncadd.s32 $0xFFFFD600  }
0x1c: {  	[bflag:$0x0] =	sbarrier.arrive $0xFFFF  }
0x1d: {  	[tilespmem:s15], [sflag:$0x1] =	stream.indirect.gather [hbm4b:s4+s14], $0x80, s3, s14, $0xb8;
	[tilespmem:$0x1D800] =	vst v63  }
0x1e: {  	_ =	swait.ge [sflag:s16], $0x4000  }
0x1f: {  	[sflag:s16] =	ssyncset.done $0x0  }
0x20: {  	s19 =	simm.s32 $0x2C00;
	[sflag:s16] =	ssyncadd.s32 $0xFFFFC000  }
0x21: {  	[spmem:s2] =	stream.indirect.scatter.add.f32 [tilespmem:s15], [sflag:$0x2], $0x80, s19, s14, $0xb8;
	[tilespmem:$0x1D800] =	vst v63  }
0x22: {  	_ =	swait.ge [sflag:s12], $0x4000  }
0x23: {  	[sflag:s12] =	ssyncset.done $0x0  }
0x24: {  	s20 =	simm.s32 $0x80;
	s19 =	simm.s32 $0x200;
	[sflag:s12] =	ssyncadd.s32 $0xFFFFC000  }
.LBB2_2:
0x25: {  	[tilespmem:s15], [sflag:$0x1] =	stream.indirect.gather [hbm4b:s4+s14], $0x80, s20, s14, $0xb8;
	[tilespmem:$0x1D800] =	vst v63  }
0x26: {  	s20 =	smov.u32 s19  }
0x27: {  	p0 =	sne.s32 s19, $0xA400;
	s19 =	sadd.s32 $0x200, s19;
	_ =	swait.ge [sflag:s16], $0x4000  }
0x28: {  	s20 =	sshra.s32 s20, $0x2;
	[sflag:s16] =	ssyncset.done $0x0  }
.Ltmp0:
0x29: {  	s21 =	sadd.s32 $0x2C00, s20;
	[sflag:s16] =	ssyncadd.s32 $0xFFFFC000;
	(pc) =	sbr.rel @p0 .LBB2_2-.Ltmp0, $4  }
0x2a: {  	[spmem:s2] =	stream.indirect.scatter.add.f32 [tilespmem:s15], [sflag:$0x2], $0x80, s21, s14, $0xb8;
	[tilespmem:$0x1D800] =	vst v63  }
0x2b: {  	_ =	swait.ge [sflag:s12], $0x4000  }
0x2c: {  	[sflag:s12] =	ssyncset.done $0x0  }
0x2d: {  	s20 =	sadd.s32 $0x80, s20;
	[sflag:s12] =	ssyncadd.s32 $0xFFFFC000  }
0x2e: {  	[tilespmem:s15], [sflag:$0x1] =	stream.indirect.gather [hbm4b:s4+s14], $0x80, s20, s14, $0xb8;
	[tilespmem:$0x1D800] =	vst v63  }
0x2f: {  	_ =	swait.ge [sflag:s16], $0x4000  }
0x30: {  	[sflag:s16] =	ssyncset.done $0x0  }
0x31: {  	[sflag:s16] =	ssyncadd.s32 $0xFFFFC000  }
0x32: {  	[spmem:s2] =	stream.indirect.scatter.add.f32 [tilespmem:s15], [sflag:$0x2], $0x80, s17, s14, $0xb8;
	[tilespmem:$0x1D800] =	vst v63  }
0x33: {  	_ =	swait.ge [sflag:s12], $0x4000  }
0x34: {  	s18 =	sadd.s32 $0x1, s18;
	[sflag:s12] =	ssyncset.done $0x0  }
0x35: {  	p0 =	sne.s32 s18, s10;
	[sflag:s12] =	ssyncadd.s32 $0xFFFFC000  }
.Ltmp1:
0x36: {  	[bflag:$0x0] =	sbarrier.arrive $0xFFFF;
	(pc) =	sbr.rel @p0 .LBB2_1-.Ltmp1, $4  }
0x37: {  	[hbm:s9], [sflag:s6] =	dma.local [spmem:s11], $0x2800  }
0x38: {  	_ =	swait.ge [sflag:s12], $0x2800  }
0x39: {  	[sflag:s12] =	ssyncset.done $0x0  }
0x3a: {  	[sflag:s12] =	ssyncadd.s32 $0xFFFFD800  }
0x3b: {  	_ =	sfence.sel $0x180000  }
0x3c: {  	[bflag:$0x0] =	sbarrier.arrive $0xFFFF  }
0x3d: {  	p0 =	sne.s32 s1, $0x0;
	_ =	strace $0x90000050  }
0x3e: {  	s0 =	sadd.s32 @!p0 $0x100000, s0;
	[bflag:$0x2] =	sbarrier.arrive $0xFFFF  }
0x3f: {  	[sflag:s0] =	ssyncadd.tile.s32 @!p0 $0x1;
	_ =	shalt  }
.Lfunc_end2:
_tile_overlayer_lowered:
.L_overlay_start_2:
0x40: {  	(tag) =	ssettag $0x2  }
0x41: {  	s0 =	rddreg [dreg:$0x0];
	s2 =	stileid.u32  }
0x42: {  	s1 =	rddreg [dreg:$0x1];
	p0 =	sne.s32 s2, $0x0  }
0x43: {  	s3 =	rddreg [dreg:$0x2];
	[bflag:$0x3] =	sbarrier.arrive $0xFFFF;
	s2 =	simm.s32 @!p0 $0x1C02  }
0x44: {  	[timem:s3], [sflag:s2] =	dma.local @!p0 [hbm:s0], s1  }
0x45: {  	s0 =	simm.s32 @!p0 $0x2  }
0x46: {  	_ =	swait.ge @!p0 [sflag:s0], s1  }
0x47: {  	s1 =	ssub.s32 @!p0 $0x0, s1;
	[sflag:s0] =	ssyncset.done @!p0 $0x0  }
0x48: {  	[sflag:s0] =	ssyncadd.s32 @!p0 s1  }
0x49: {  	[bflag:$0x3] =	sbarrier.arrive $0xFFFF  }
0x4a: {  	_ =	shalt  }

</sc_bundles>
